<compile_context>
chip_gen: v7x
topology: tpu7x:2x2x1
jax: 0.10.2.dev20260603
libtpu: 0.0.44.dev20260713+nightly
codegen_flags: <defaults>
</compile_context>

<pallas_src>
import functools

import jax
import jax.numpy as jnp
import numpy as np
from jax.experimental import pallas as pl

_NUM_PARTS = 14
_HI = jax.lax.Precision.HIGHEST


def _fold_t(p):
    s = p['g'] / np.sqrt(1.0 + 1e-5)
    w = p['W'] * s[:, None]
    return w.T, (p['b'] * s + p['be'])[None, :]


def _fps_body(xs_ref, ys_ref, zs_ref, o_ref, *, npoint):
    x = xs_ref[...]
    y = ys_ref[...]
    z = zs_ref[...]
    b, n = x.shape
    iota_n = jax.lax.broadcasted_iota(jnp.int32, (b, n), 1)
    iota_s = jax.lax.broadcasted_iota(jnp.int32, (b, npoint), 1)

    def step(i, st):
        dist_min, cent = st
        mx = jnp.max(dist_min, -1, keepdims=True)
        far = jnp.min(jnp.where(dist_min == mx, iota_n, n), -1, keepdims=True)
        cent = cent + (iota_s == i).astype(jnp.float32) * far.astype(jnp.float32)
        oh = (iota_n == far).astype(jnp.float32)
        cx = jnp.sum(x * oh, -1, keepdims=True)
        cy = jnp.sum(y * oh, -1, keepdims=True)
        cz = jnp.sum(z * oh, -1, keepdims=True)
        dx = x - cx
        dy = y - cy
        dz = z - cz
        dist = dx * dx + dy * dy + dz * dz
        return jnp.minimum(dist_min, dist), cent

    st0 = (jnp.full((b, n), 1e10, jnp.float32), x[:, :npoint] * 0.0)
    _, cent = jax.lax.fori_loop(0, npoint, step, st0)
    o_ref[...] = cent.astype(jnp.int32)


def _fps(xt, npoint):
    b, n, _ = xt.shape
    xs = xt[:, :, 0]
    ys = xt[:, :, 1]
    zs = xt[:, :, 2]
    return pl.pallas_call(
        functools.partial(_fps_body, npoint=npoint),
        out_shape=jax.ShapeDtypeStruct((b, npoint), jnp.int32),
    )(xs, ys, zs)


def _sa_body(gi_ref, tab_ref, nx_ref, w1x_ref, *refs, nl, k_pool, s_c):
    w_refs = refs[:2 * nl]
    o_ref = refs[2 * nl]
    tab = tab_ref[0]
    gcol = gi_ref[0]
    lane = jax.lax.broadcasted_iota(jnp.int32,
                                    (s_c * k_pool, tab.shape[0]), 1)
    oh = (lane == gcol).astype(jnp.float32)
    g = jnp.dot(oh, tab, preferred_element_type=jnp.float32,
                precision=_HI)
    h = jnp.dot(g, w_refs[0][...], preferred_element_type=jnp.float32,
                precision=_HI) + w_refs[1][...]
    v = jnp.dot(nx_ref[0], w1x_ref[...], preferred_element_type=jnp.float32,
                precision=_HI)
    h = h.reshape(s_c, k_pool, h.shape[-1]) - v[:, None, :]
    h = jnp.maximum(h, 0.0).reshape(s_c * k_pool, h.shape[-1])
    for i in range(1, nl):
        h = jnp.dot(h, w_refs[2 * i][...], preferred_element_type=jnp.float32,
                    precision=_HI) + w_refs[2 * i + 1][...]
        h = jnp.maximum(h, 0.0)
    o_ref[0] = jnp.max(h.reshape(s_c, k_pool, h.shape[-1]), axis=1)


def _sa_branch(gi3, table, nxyz, layers, k_pool, s_c):
    bsz, rows, _ = gi3.shape
    n, cin = table.shape[1], table.shape[2]
    s = rows // k_pool
    nl = len(layers)
    cl = layers[-1][0].shape[1]
    w1x = layers[0][0][cin - 3:, :]
    flat = []
    specs = [
        pl.BlockSpec((1, s_c * k_pool, 1), lambda b, i: (b, i, 0)),
        pl.BlockSpec((1, n, cin), lambda b, i: (b, 0, 0)),
        pl.BlockSpec((1, s_c, 3), lambda b, i: (b, i, 0)),
        pl.BlockSpec(w1x.shape, lambda b, i: (0, 0)),
    ]
    for (w, bias) in layers:
        flat += [w, bias]
        specs.append(pl.BlockSpec(w.shape, lambda b, i: (0, 0)))
        specs.append(pl.BlockSpec(bias.shape, lambda b, i: (0, 0)))
    return pl.pallas_call(
        functools.partial(_sa_body, nl=nl, k_pool=k_pool, s_c=s_c),
        grid=(bsz, s // s_c),
        in_specs=specs,
        out_specs=pl.BlockSpec((1, s_c, cl), lambda b, i: (b, i, 0)),
        out_shape=jax.ShapeDtypeStruct((bsz, s, cl), jnp.float32),
    )(gi3, table, nxyz, w1x, *flat)


def _mlp_body(x_ref, *refs, nl):
    w_refs = refs[:2 * nl]
    o_ref = refs[2 * nl]
    h = x_ref[0]
    for i in range(nl):
        h = jnp.dot(h, w_refs[2 * i][...], preferred_element_type=jnp.float32,
                    precision=_HI) + w_refs[2 * i + 1][...]
        h = jnp.maximum(h, 0.0)
    o_ref[0] = h


def _rows_mlp(x, layers, r_c=None):
    bsz, rows, cin = x.shape
    r_c = r_c or rows
    nl = len(layers)
    cl = layers[-1][0].shape[1]
    flat = []
    specs = [pl.BlockSpec((1, r_c, cin), lambda b, i: (b, i, 0))]
    for (w, bias) in layers:
        flat += [w, bias]
        specs.append(pl.BlockSpec(w.shape, lambda b, i: (0, 0)))
        specs.append(pl.BlockSpec(bias.shape, lambda b, i: (0, 0)))
    return pl.pallas_call(
        functools.partial(_mlp_body, nl=nl),
        grid=(bsz, rows // r_c),
        in_specs=specs,
        out_specs=pl.BlockSpec((1, r_c, cl), lambda b, i: (b, i, 0)),
        out_shape=jax.ShapeDtypeStruct((bsz, rows, cl), jnp.float32),
    )(x, *flat)


def _fp_body(x1_ref, x2t_ref, p2_ref, p1_ref, wa_ref, wb_ref, b1_ref,
             *refs, nl, s2):
    w_refs = refs[:2 * (nl - 1)]
    o_ref = refs[2 * (nl - 1)]
    a = x1_ref[0]
    xs = x2t_ref[0]
    s1n = (a[:, 0:1] * a[:, 0:1] + a[:, 1:2] * a[:, 1:2]) + a[:, 2:3] * a[:, 2:3]
    s2n = (xs[0:1] * xs[0:1] + xs[1:2] * xs[1:2]) + xs[2:3] * xs[2:3]
    cross = jnp.dot(a.astype(jnp.bfloat16), xs.astype(jnp.bfloat16),
                    preferred_element_type=jnp.float32)
    d = (s1n - 2.0 * cross) + s2n
    iota = jax.lax.broadcasted_iota(jnp.int32, d.shape, 1)
    wmat = jnp.zeros_like(d)
    wsum = jnp.zeros_like(d[:, 0:1])
    masks = []
    dd = d
    for _ in range(3):
        m = jnp.min(dd, axis=1, keepdims=True)
        sel = jnp.min(jnp.where(dd == m, iota, s2), axis=1, keepdims=True)
        msk = iota == sel
        w = 1.0 / (m + 1e-8)
        wsum = wsum + w
        masks.append((msk, w))
        dd = jnp.where(msk, jnp.float32(1e30), dd)
    for msk, w in masks:
        wmat = wmat + msk.astype(jnp.float32) * (w / wsum)
    interp = jnp.dot(wmat, p2_ref[0], preferred_element_type=jnp.float32,
                     precision=_HI)
    h = (jnp.dot(p1_ref[0], wa_ref[...], preferred_element_type=jnp.float32,
                 precision=_HI)
         + jnp.dot(interp, wb_ref[...], preferred_element_type=jnp.float32,
                   precision=_HI)
         + b1_ref[...])
    h = jnp.maximum(h, 0.0)
    for i in range(nl - 1):
        h = jnp.dot(h, w_refs[2 * i][...], preferred_element_type=jnp.float32,
                    precision=_HI) + w_refs[2 * i + 1][...]
        h = jnp.maximum(h, 0.0)
    o_ref[0] = h


def _fp_interp_mlp(x1, x2, p2, p1, layers, n_c=None):
    bsz, n, _ = x1.shape
    s2 = x2.shape[1]
    c1 = p1.shape[2]
    n_c = n_c or n
    nl = len(layers)
    cl = layers[-1][0].shape[1]
    x2t = jnp.transpose(x2, (0, 2, 1))
    wa = layers[0][0][:c1, :]
    wb = layers[0][0][c1:, :]
    b1 = layers[0][1]
    flat = []
    specs = [
        pl.BlockSpec((1, n_c, 3), lambda b, i: (b, i, 0)),
        pl.BlockSpec((1, 3, s2), lambda b, i: (b, 0, 0)),
        pl.BlockSpec(p2.shape[1:], lambda b, i: (b, 0, 0)),
        pl.BlockSpec((1, n_c, c1), lambda b, i: (b, i, 0)),
        pl.BlockSpec(wa.shape, lambda b, i: (0, 0)),
        pl.BlockSpec(wb.shape, lambda b, i: (0, 0)),
        pl.BlockSpec(b1.shape, lambda b, i: (0, 0)),
    ]
    specs[2] = pl.BlockSpec((1,) + p2.shape[1:], lambda b, i: (b, 0, 0))
    for (w, bias) in layers[1:]:
        flat += [w, bias]
        specs.append(pl.BlockSpec(w.shape, lambda b, i: (0, 0)))
        specs.append(pl.BlockSpec(bias.shape, lambda b, i: (0, 0)))
    return pl.pallas_call(
        functools.partial(_fp_body, nl=nl, s2=s2),
        grid=(bsz, n // n_c),
        in_specs=specs,
        out_specs=pl.BlockSpec((1, n_c, cl), lambda b, i: (b, i, 0)),
        out_shape=jax.ShapeDtypeStruct((bsz, n, cl), jnp.float32),
    )(x1, x2t, p2, p1, wa, wb, b1, *flat)


def _heads_body(x_ref, w1_ref, b1_ref, w2_ref, b2_ref, w3_ref, b3_ref,
                w4_ref, b4_ref, logits_ref, z_ref):
    x = x_ref[0]
    h = jnp.maximum(jnp.dot(x, w1_ref[...], preferred_element_type=jnp.float32,
                            precision=_HI) + b1_ref[...], 0.0)
    logits = jnp.dot(h, w2_ref[...], preferred_element_type=jnp.float32,
                     precision=_HI) + b2_ref[...]
    logits_ref[0] = logits
    m = jnp.max(logits, axis=1, keepdims=True)
    e = jnp.exp(logits - m)
    probs = e / jnp.sum(e, axis=1, keepdims=True)
    h2 = jnp.maximum(jnp.dot(x, w3_ref[...], preferred_element_type=jnp.float32,
                             precision=_HI) + b3_ref[...], 0.0)
    h2 = h2 * w4_ref[...]
    og = h2.reshape(h2.shape[0], _NUM_PARTS, 128)
    off = jnp.sum(og, axis=2) + b4_ref[...]
    z_ref[0] = jnp.sum(off * probs, axis=1, keepdims=True)


def _heads(l0p, params, n_c=1024):
    bsz, n, _ = l0p.shape
    w1, b1 = _fold_t(params['sem1'])
    w2 = params['sem2']['W'].T
    b2 = params['sem2']['b'][None, :]
    w3, b3 = _fold_t(params['off1'])
    w4 = params['off2']['W'].reshape(1, -1)
    b4 = params['off2']['b'][None, :]
    args = (l0p, w1, b1, w2, b2, w3, b3, w4, b4)
    specs = [pl.BlockSpec((1, n_c, 128), lambda b, i: (b, i, 0))]
    for a in args[1:]:
        specs.append(pl.BlockSpec(a.shape, lambda b, i: (0, 0)))
    return pl.pallas_call(
        _heads_body,
        grid=(bsz, n // n_c),
        in_specs=specs,
        out_specs=[pl.BlockSpec((1, n_c, _NUM_PARTS), lambda b, i: (b, i, 0)),
                   pl.BlockSpec((1, n_c, 1), lambda b, i: (b, i, 0))],
        out_shape=[jax.ShapeDtypeStruct((bsz, n, _NUM_PARTS), jnp.float32),
                   jax.ShapeDtypeStruct((bsz, n, 1), jnp.float32)],
    )(*args)


def _sqdist(src, dst):
    return (jnp.sum(src ** 2, -1)[:, :, None]
            - 2.0 * jnp.einsum('bnc,bmc->bnm', src, dst)
            + jnp.sum(dst ** 2, -1)[:, None, :])


def _gather_rows(points, idx):
    return jax.vmap(lambda p, i: p[i])(points, idx)


def _ball_query_multi(specs, xt, new_xyz):
    b, n, _ = xt.shape
    sqr = _sqdist(new_xyz, xt)
    iota = jnp.broadcast_to(jnp.arange(n, dtype=jnp.int32), sqr.shape)
    outs = []
    for r, k in specs:
        gi = jnp.where(sqr > r ** 2, n, iota)
        vals = jax.lax.top_k(n - gi, k)[0]
        gi = n - vals
        outs.append(jnp.where(gi == n, gi[:, :, :1], gi))
    return outs


def _sa_msg(xt, pt, npoint, radii, nsamples, branches, s_cs):
    bsz, n, _ = xt.shape
    fps_idx = _fps(xt, npoint)
    new_xyz = _gather_rows(xt, fps_idx)
    table = jnp.concatenate([pt, xt], -1)
    gis = _ball_query_multi(list(zip(radii, nsamples)), xt, new_xyz)
    outs = []
    for gi, k, branch, s_c in zip(gis, nsamples, branches, s_cs):
        gi3 = jnp.minimum(gi, n - 1).reshape(bsz, npoint * k, 1)
        layers = [_fold_t(p) for p in branch]
        outs.append(_sa_branch(gi3, table, new_xyz, layers, k, s_c))
    return new_xyz, jnp.concatenate(outs, axis=-1)


def kernel(inputs, params):
    points = inputs
    xt = inputs
    bsz, n, _ = inputs.shape

    l1_xyz, l1_pts = _sa_msg(xt, xt, 512, (0.1, 0.2, 0.4), (32, 64, 128),
                             params['sa1'], (64, 32, 16))

    l2_xyz, l2_pts = _sa_msg(l1_xyz, l1_pts, 128, (0.4, 0.8), (64, 128),
                             params['sa2'], (32, 16))

    g3 = jnp.concatenate([l2_xyz, l2_pts], -1)
    h3 = _rows_mlp(g3, [_fold_t(p) for p in params['sa3']])
    l3_max = jnp.max(h3, axis=1, keepdims=True)

    f3 = jnp.concatenate(
        [l2_pts, jnp.broadcast_to(l3_max, (bsz, 128, 1024))], -1)
    l2_up = _rows_mlp(f3, [_fold_t(p) for p in params['fp3']])

    l1_up = _fp_interp_mlp(l1_xyz, l2_xyz, l2_up, l1_pts,
                           [_fold_t(p) for p in params['fp2']])

    p1 = jnp.concatenate([xt, xt], -1)
    l0p = _fp_interp_mlp(xt, l1_xyz, l1_up, p1,
                         [_fold_t(p) for p in params['fp1']])

    logits_rows, z = _heads(l0p, params)
    sem_logits = jnp.transpose(logits_rows, (0, 2, 1))
    back_points = points.at[:, :, 2].add(z[:, :, 0])
    return sem_logits, back_points

# --- scband reference (transcript-rebuilt; emitter-appended) ---
"""Pipeline reference for scband-front-to-back-net-part-52699248722026 (READ-ONLY COPY).

The authoritative reference and input builder live on the scoring server;
editing this copy changes nothing except your own understanding.
"""

import jax, jax.numpy as jnp
import numpy as np

NUM_PARTS = 14
B, N = 16, 2048

def square_distance(src, dst):
    return (jnp.sum(src ** 2, -1)[:, :, None]
            - 2.0 * jnp.einsum('bnc,bmc->bnm', src, dst)
            + jnp.sum(dst ** 2, -1)[:, None, :])

def index_points(points, idx):
    return jax.vmap(lambda p, i: p[i])(points, idx)

def farthest_point_sample(xyz, npoint):
    b, n, _ = xyz.shape
    def body(i, state):
        centroids, distance, farthest = state
        centroids = centroids.at[:, i].set(farthest)
        centroid = jnp.take_along_axis(xyz, farthest[:, None, None], axis=1)
        dist = jnp.sum((xyz - centroid) ** 2, -1)
        distance = jnp.minimum(distance, dist)
        farthest = jnp.argmax(distance, -1).astype(jnp.int32)
        return centroids, distance, farthest
    init = (jnp.zeros((b, npoint), jnp.int32), jnp.full((b, n), 1e10, jnp.float32), jnp.zeros((b,), jnp.int32))
    centroids, _, _ = jax.lax.fori_loop(0, npoint, body, init)
    return centroids

def query_ball_point(radius, nsample, xyz, new_xyz):
    b, n, _ = xyz.shape
    s = new_xyz.shape[1]
    sqrdists = square_distance(jax.lax.stop_gradient(new_xyz), jax.lax.stop_gradient(xyz))
    gi = jnp.broadcast_to(jnp.arange(n, dtype=jnp.int32), (b, s, n))
    gi = jnp.where(sqrdists > radius ** 2, n, gi)
    gi = jnp.sort(gi, axis=-1)[:, :, :nsample]
    first = gi[:, :, :1]
    gi = jnp.where(gi == n, jnp.broadcast_to(first, gi.shape), gi)
    return gi

def cbr(x, p, act=True):
    if x.ndim == 3:
        y = jnp.einsum('oc,bcn->bon', p['W'], x) + p['b'][None, :, None]
        sh = (1, -1, 1)
    else:
        y = jnp.einsum('oc,bcks->boks', p['W'], x) + p['b'][None, :, None, None]
        sh = (1, -1, 1, 1)
    y = y / np.sqrt(1.0 + 1e-5) * p['g'].reshape(sh) + p['be'].reshape(sh)
    return jax.nn.relu(y) if act else y

def sa_msg(xyz, pts, npoint, radii, nsamples, branches):
    xt = jnp.transpose(xyz, (0, 2, 1))
    pt = jnp.transpose(pts, (0, 2, 1))
    fps_idx = farthest_point_sample(jax.lax.stop_gradient(xt), npoint)
    new_xyz = index_points(xt, fps_idx)
    outs = []
    for r, k, branch in zip(radii, nsamples, branches):
        gi = query_ball_point(r, k, xt, new_xyz)
        gx = index_points(xt, gi) - new_xyz[:, :, None, :]
        gp = jnp.concatenate([index_points(pt, gi), gx], -1)
        g = jnp.transpose(gp, (0, 3, 2, 1))
        for p in branch:
            g = cbr(g, p)
        outs.append(jnp.max(g, axis=2))
    return jnp.transpose(new_xyz, (0, 2, 1)), jnp.concatenate(outs, axis=1)

def sa_all(xyz, pts, branch):
    xt = jnp.transpose(xyz, (0, 2, 1))
    pt = jnp.transpose(pts, (0, 2, 1))
    b = xt.shape[0]
    grouped = jnp.concatenate([xt, pt], -1)[:, None, :, :]
    g = jnp.transpose(grouped, (0, 3, 2, 1))
    for p in branch:
        g = cbr(g, p)
    new_points = jnp.max(g, axis=2)
    return jnp.zeros((b, 3, 1), jnp.float32), new_points

def fp(xyz1, xyz2, points1, points2, branch):
    x1 = jnp.transpose(xyz1, (0, 2, 1))
    x2 = jnp.transpose(xyz2, (0, 2, 1))
    p2 = jnp.transpose(points2, (0, 2, 1))
    n = x1.shape[1]
    s = x2.shape[1]
    if s == 1:
        interp = jnp.repeat(p2, n, axis=1)
    else:
        d = square_distance(x1, x2)
        idx = jnp.argsort(jax.lax.stop_gradient(d), axis=-1)[:, :, :3]
        dists = jnp.take_along_axis(d, idx, axis=-1)
        w = 1.0 / (dists + 1e-8)
        w = w / jnp.sum(w, -1, keepdims=True)
        interp = jnp.sum(index_points(p2, idx) * w[..., None], axis=2)
    new_points = jnp.concatenate([jnp.transpose(points1, (0, 2, 1)), interp], -1)
    g = jnp.transpose(new_points, (0, 2, 1))
    for p in branch:
        g = cbr(g, p)
    return g

def _forward(inputs, params):
    points = inputs
    xyz = jnp.transpose(inputs, (0, 2, 1))
    l0_points = xyz
    l0_xyz = xyz
    l1_xyz, l1_points = sa_msg(l0_xyz, l0_points, 512, (0.1, 0.2, 0.4), (32, 64, 128), params['sa1'])
    l2_xyz, l2_points = sa_msg(l1_xyz, l1_points, 128, (0.4, 0.8), (64, 128), params['sa2'])
    l3_xyz, l3_points = sa_all(l2_xyz, l2_points, params['sa3'])
    l2_points = fp(l2_xyz, l3_xyz, l2_points, l3_points, params['fp3'])
    l1_points = fp(l1_xyz, l2_xyz, l1_points, l2_points, params['fp2'])
    l0p = fp(l0_xyz, l1_xyz, jnp.concatenate([l0_xyz, l0_points], 1), l1_points, params['fp1'])
    h = cbr(l0p, params['sem1'])
    sem_logits = jnp.einsum('oc,bcn->bon', params['sem2']['W'], h) + params['sem2']['b'][None, :, None]
    sem_probs = jax.nn.softmax(sem_logits, axis=1)
    h2 = cbr(l0p, params['off1'])
    bb, cc, nn_ = h2.shape
    og = h2.reshape(bb, NUM_PARTS, cc // NUM_PARTS, nn_)
    offset_z = jnp.einsum('bgcn,gc->bgn', og, params['off2']['W']) + params['off2']['b'][None, :, None]
    final_z = jnp.sum(offset_z * sem_probs, axis=1)
    back_points = points.at[:, :, 2].add(final_z)
    return sem_logits, back_points

def _layer(key, cin, cout):
    return {'W': jax.random.normal(key, (cout, cin), jnp.float32) / np.sqrt(cin),
            'b': jnp.zeros((cout,), jnp.float32),
            'g': jnp.ones((cout,), jnp.float32),
            'be': jnp.zeros((cout,), jnp.float32)}

def _branch(key, chans):
    keys = jax.random.split(key, len(chans) - 1)
    return [_layer(k, ci, co) for k, ci, co in zip(keys, chans[:-1], chans[1:])]

def setup_inputs():
    ks = jax.random.split(jax.random.key(0), 16)
    inputs = jax.random.normal(ks[0], (B, N, 3), jnp.float32)
    params = {
        'sa1': [_branch(ks[1], [6, 32, 32, 64]), _branch(ks[2], [6, 64, 64, 128]), _branch(ks[3], [6, 64, 96, 128])],
        'sa2': [_branch(ks[4], [323, 128, 128, 256]), _branch(ks[5], [323, 128, 196, 256])],
        'sa3': _branch(ks[6], [515, 256, 512, 1024]),
        'fp3': _branch(ks[7], [1536, 256, 256]),
        'fp2': _branch(ks[8], [576, 256, 128]),
        'fp1': _branch(ks[9], [134, 128, 128]),
        'sem1': _layer(ks[10], 128, 128),
        'sem2': {'W': jax.random.normal(ks[11], (NUM_PARTS, 128), jnp.float32) / np.sqrt(128), 'b': jnp.zeros((NUM_PARTS,), jnp.float32)},
        'off1': _layer(ks[12], 128, 128 * NUM_PARTS),
        'off2': {'W': jax.random.normal(ks[13], (NUM_PARTS, 128), jnp.float32) / np.sqrt(128), 'b': jnp.zeros((NUM_PARTS,), jnp.float32)},
    }
    return {'inputs': inputs, 'params': params}

def reference(inputs, params):
    return _forward(inputs, params)

if __name__ == "__main__":
    import jax
    _d = setup_inputs()
    print(jax.jit(kernel)(*tuple(_d.values())))

</pallas_src>

<mosaic_0001>
module attributes {stable_mosaic.version = 14 : i64} {
  func.func @_fps_body(%arg0: memref<16x2048xf32, #tpu.memory_space<vmem>>, %arg1: memref<16x2048xf32, #tpu.memory_space<vmem>>, %arg2: memref<16x2048xf32, #tpu.memory_space<vmem>>, %arg3: memref<16x512xi32, #tpu.memory_space<vmem>>) attributes {dimension_semantics = [], scalar_prefetch = 0 : i64, scratch_operands = 0 : i64, tpu.core_type = #tpu.core_type<tc>} {
    %get3A = arith.constant 0 : index
    %get3A_0 = arith.constant 0 : index
    %get3A_1 = vector.load %arg0[%get3A, %get3A_0] : memref<16x2048xf32, #tpu.memory_space<vmem>>, vector<16x2048xf32>
    %get3A_2 = arith.constant 0 : index
    %get3A_3 = arith.constant 0 : index
    %get3A_4 = vector.load %arg1[%get3A_2, %get3A_3] : memref<16x2048xf32, #tpu.memory_space<vmem>>, vector<16x2048xf32>
    %get3A_5 = arith.constant 0 : index
    %get3A_6 = arith.constant 0 : index
    %get3A_7 = vector.load %arg2[%get3A_5, %get3A_6] : memref<16x2048xf32, #tpu.memory_space<vmem>>, vector<16x2048xf32>
    %iota3A = tpu.iota {dimensions = array<i32: 1>} : vector<16x2048xi32>
    %iota3A_8 = tpu.iota {dimensions = array<i32: 1>} : vector<16x512xi32>
    %broadcast_in_dim3A = arith.constant 1.000000e+10 : f32
    %broadcast_in_dim3A_9 = vector.broadcast %broadcast_in_dim3A : f32 to vector<16x2048xf32>
    %slice3A = vector.extract_strided_slice %get3A_1 {offsets = [0, 0], sizes = [16, 512], strides = [1, 1]} : vector<16x2048xf32> to vector<16x512xf32>
    %mul3A = arith.constant 0.000000e+00 : f32
    %mul3A_10 = vector.broadcast %mul3A : f32 to vector<16x512xf32>
    %mul3A_11 = arith.mulf %slice3A, %mul3A_10 : vector<16x512xf32>
    %scan3A = arith.constant 0 : i32
    %scan3A_12 = arith.constant 512 : i32
    %scan3A_13 = arith.addi %scan3A, %scan3A_12 : i32
    %scan3A_14 = arith.constant 1 : i32
    %scan3A_15:2 = scf.for %scan3A_19 = %scan3A to %scan3A_13 step %scan3A_14 iter_args(%scan3A_20 = %broadcast_in_dim3A_9, %scan3A_21 = %mul3A_11) -> (vector<16x2048xf32>, vector<16x512xf32>)  : i32 {
      %reduce_max3A = arith.constant dense<0xFF800000> : vector<16xf32>
      %reduce_max3A_22 = vector.multi_reduction <maximumf>, %scan3A_20, %reduce_max3A [1] : vector<16x2048xf32> to vector<16xf32>
      %broadcast_in_dim3A_23 = vector.shape_cast %reduce_max3A_22 : vector<16xf32> to vector<16x1xf32>
      %eq3A = vector.broadcast %broadcast_in_dim3A_23 : vector<16x1xf32> to vector<16x2048xf32>
      %eq3A_24 = arith.cmpf oeq, %scan3A_20, %eq3A : vector<16x2048xf32>
      %jit3A = arith.constant 2048 : i32
      %broadcast_in_dim3A_25 = vector.broadcast %jit3A : i32 to vector<16x2048xi32>
      %select_n3A = arith.select %eq3A_24, %iota3A, %broadcast_in_dim3A_25 : vector<16x2048xi1>, vector<16x2048xi32>
      %reduce_min3A = arith.constant dense<2147483647> : vector<16xi32>
      %reduce_min3A_26 = vector.multi_reduction <minsi>, %select_n3A, %reduce_min3A [1] : vector<16x2048xi32> to vector<16xi32>
      %broadcast_in_dim3A_27 = vector.shape_cast %reduce_min3A_26 : vector<16xi32> to vector<16x1xi32>
      %eq3A_28 = vector.broadcast %scan3A_19 : i32 to vector<16x512xi32>
      %eq3A_29 = arith.cmpi eq, %iota3A_8, %eq3A_28 : vector<16x512xi32>
      %convert_element_type3A_30 = arith.extui %eq3A_29 : vector<16x512xi1> to vector<16x512xi32>
      %convert_element_type3A_31 = arith.sitofp %convert_element_type3A_30 : vector<16x512xi32> to vector<16x512xf32>
      %convert_element_type3A_32 = arith.sitofp %broadcast_in_dim3A_27 : vector<16x1xi32> to vector<16x1xf32>
      %mul3A_33 = vector.broadcast %convert_element_type3A_32 : vector<16x1xf32> to vector<16x512xf32>
      %mul3A_34 = arith.mulf %convert_element_type3A_31, %mul3A_33 : vector<16x512xf32>
      %add3A = arith.addf %scan3A_21, %mul3A_34 : vector<16x512xf32>
      %eq3A_35 = vector.broadcast %broadcast_in_dim3A_27 : vector<16x1xi32> to vector<16x2048xi32>
      %eq3A_36 = arith.cmpi eq, %iota3A, %eq3A_35 : vector<16x2048xi32>
      %convert_element_type3A_37 = arith.extui %eq3A_36 : vector<16x2048xi1> to vector<16x2048xi32>
      %convert_element_type3A_38 = arith.sitofp %convert_element_type3A_37 : vector<16x2048xi32> to vector<16x2048xf32>
      %mul3A_39 = arith.mulf %get3A_1, %convert_element_type3A_38 : vector<16x2048xf32>
      %reduce_sum3A = arith.constant dense<0.000000e+00> : vector<16xf32>
      %reduce_sum3A_40 = vector.multi_reduction <add>, %mul3A_39, %reduce_sum3A [1] : vector<16x2048xf32> to vector<16xf32>
      %broadcast_in_dim3A_41 = vector.shape_cast %reduce_sum3A_40 : vector<16xf32> to vector<16x1xf32>
      %mul3A_42 = arith.mulf %get3A_4, %convert_element_type3A_38 : vector<16x2048xf32>
      %reduce_sum3A_43 = arith.constant dense<0.000000e+00> : vector<16xf32>
      %reduce_sum3A_44 = vector.multi_reduction <add>, %mul3A_42, %reduce_sum3A_43 [1] : vector<16x2048xf32> to vector<16xf32>
      %broadcast_in_dim3A_45 = vector.shape_cast %reduce_sum3A_44 : vector<16xf32> to vector<16x1xf32>
      %mul3A_46 = arith.mulf %get3A_7, %convert_element_type3A_38 : vector<16x2048xf32>
      %reduce_sum3A_47 = arith.constant dense<0.000000e+00> : vector<16xf32>
      %reduce_sum3A_48 = vector.multi_reduction <add>, %mul3A_46, %reduce_sum3A_47 [1] : vector<16x2048xf32> to vector<16xf32>
      %broadcast_in_dim3A_49 = vector.shape_cast %reduce_sum3A_48 : vector<16xf32> to vector<16x1xf32>
      %sub3A = vector.broadcast %broadcast_in_dim3A_41 : vector<16x1xf32> to vector<16x2048xf32>
      %sub3A_50 = arith.subf %get3A_1, %sub3A : vector<16x2048xf32>
      %sub3A_51 = vector.broadcast %broadcast_in_dim3A_45 : vector<16x1xf32> to vector<16x2048xf32>
      %sub3A_52 = arith.subf %get3A_4, %sub3A_51 : vector<16x2048xf32>
      %sub3A_53 = vector.broadcast %broadcast_in_dim3A_49 : vector<16x1xf32> to vector<16x2048xf32>
      %sub3A_54 = arith.subf %get3A_7, %sub3A_53 : vector<16x2048xf32>
      %mul3A_55 = arith.mulf %sub3A_50, %sub3A_50 : vector<16x2048xf32>
      %mul3A_56 = arith.mulf %sub3A_52, %sub3A_52 : vector<16x2048xf32>
      %add3A_57 = arith.addf %mul3A_55, %mul3A_56 : vector<16x2048xf32>
      %mul3A_58 = arith.mulf %sub3A_54, %sub3A_54 : vector<16x2048xf32>
      %add3A_59 = arith.addf %add3A_57, %mul3A_58 : vector<16x2048xf32>
      %min3A = arith.minimumf %scan3A_20, %add3A_59 : vector<16x2048xf32>
      scf.yield %min3A, %add3A : vector<16x2048xf32>, vector<16x512xf32>
    }
    %scan3A_16 = arith.constant 512 : i32
    %convert_element_type3A = arith.fptosi %scan3A_15#1 : vector<16x512xf32> to vector<16x512xi32>
    %swap3A = arith.constant 0 : index
    %swap3A_17 = arith.constant 0 : index
    %swap3A_18 = vector.load %arg3[%swap3A, %swap3A_17] : memref<16x512xi32, #tpu.memory_space<vmem>>, vector<16x512xi32>
    tpu.vector_store %arg3[%swap3A, %swap3A_17], %convert_element_type3A {strides = array<i32>} : memref<16x512xi32, #tpu.memory_space<vmem>>, vector<16x512xi32>,
    return
  }
}

module attributes {stable_mosaic.version = 14 : i64} {
  func.func @_fps_body(%arg0: memref<16x512xf32, #tpu.memory_space<vmem>>, %arg1: memref<16x512xf32, #tpu.memory_space<vmem>>, %arg2: memref<16x512xf32, #tpu.memory_space<vmem>>, %arg3: memref<16x128xi32, #tpu.memory_space<vmem>>) attributes {dimension_semantics = [], scalar_prefetch = 0 : i64, scratch_operands = 0 : i64, tpu.core_type = #tpu.core_type<tc>} {
    %get3A = arith.constant 0 : index
    %get3A_0 = arith.constant 0 : index
    %get3A_1 = vector.load %arg0[%get3A, %get3A_0] : memref<16x512xf32, #tpu.memory_space<vmem>>, vector<16x512xf32>
    %get3A_2 = arith.constant 0 : index
    %get3A_3 = arith.constant 0 : index
    %get3A_4 = vector.load %arg1[%get3A_2, %get3A_3] : memref<16x512xf32, #tpu.memory_space<vmem>>, vector<16x512xf32>
    %get3A_5 = arith.constant 0 : index
    %get3A_6 = arith.constant 0 : index
    %get3A_7 = vector.load %arg2[%get3A_5, %get3A_6] : memref<16x512xf32, #tpu.memory_space<vmem>>, vector<16x512xf32>
    %iota3A = tpu.iota {dimensions = array<i32: 1>} : vector<16x512xi32>
    %iota3A_8 = tpu.iota {dimensions = array<i32: 1>} : vector<16x128xi32>
    %broadcast_in_dim3A = arith.constant 1.000000e+10 : f32
    %broadcast_in_dim3A_9 = vector.broadcast %broadcast_in_dim3A : f32 to vector<16x512xf32>
    %slice3A = vector.extract_strided_slice %get3A_1 {offsets = [0, 0], sizes = [16, 128], strides = [1, 1]} : vector<16x512xf32> to vector<16x128xf32>
    %mul3A = arith.constant 0.000000e+00 : f32
    %mul3A_10 = vector.broadcast %mul3A : f32 to vector<16x128xf32>
    %mul3A_11 = arith.mulf %slice3A, %mul3A_10 : vector<16x128xf32>
    %scan3A = arith.constant 0 : i32
    %scan3A_12 = arith.constant 128 : i32
    %scan3A_13 = arith.addi %scan3A, %scan3A_12 : i32
    %scan3A_14 = arith.constant 1 : i32
    %scan3A_15:2 = scf.for %scan3A_19 = %scan3A to %scan3A_13 step %scan3A_14 iter_args(%scan3A_20 = %broadcast_in_dim3A_9, %scan3A_21 = %mul3A_11) -> (vector<16x512xf32>, vector<16x128xf32>)  : i32 {
      %reduce_max3A = arith.constant dense<0xFF800000> : vector<16xf32>
      %reduce_max3A_22 = vector.multi_reduction <maximumf>, %scan3A_20, %reduce_max3A [1] : vector<16x512xf32> to vector<16xf32>
      %broadcast_in_dim3A_23 = vector.shape_cast %reduce_max3A_22 : vector<16xf32> to vector<16x1xf32>
      %eq3A = vector.broadcast %broadcast_in_dim3A_23 : vector<16x1xf32> to vector<16x512xf32>
      %eq3A_24 = arith.cmpf oeq, %scan3A_20, %eq3A : vector<16x512xf32>
      %jit3A = arith.constant 512 : i32
      %broadcast_in_dim3A_25 = vector.broadcast %jit3A : i32 to vector<16x512xi32>
      %select_n3A = arith.select %eq3A_24, %iota3A, %broadcast_in_dim3A_25 : vector<16x512xi1>, vector<16x512xi32>
      %reduce_min3A = arith.constant dense<2147483647> : vector<16xi32>
      %reduce_min3A_26 = vector.multi_reduction <minsi>, %select_n3A, %reduce_min3A [1] : vector<16x512xi32> to vector<16xi32>
      %broadcast_in_dim3A_27 = vector.shape_cast %reduce_min3A_26 : vector<16xi32> to vector<16x1xi32>
      %eq3A_28 = vector.broadcast %scan3A_19 : i32 to vector<16x128xi32>
      %eq3A_29 = arith.cmpi eq, %iota3A_8, %eq3A_28 : vector<16x128xi32>
      %convert_element_type3A_30 = arith.extui %eq3A_29 : vector<16x128xi1> to vector<16x128xi32>
      %convert_element_type3A_31 = arith.sitofp %convert_element_type3A_30 : vector<16x128xi32> to vector<16x128xf32>
      %convert_element_type3A_32 = arith.sitofp %broadcast_in_dim3A_27 : vector<16x1xi32> to vector<16x1xf32>
      %mul3A_33 = vector.broadcast %convert_element_type3A_32 : vector<16x1xf32> to vector<16x128xf32>
      %mul3A_34 = arith.mulf %convert_element_type3A_31, %mul3A_33 : vector<16x128xf32>
      %add3A = arith.addf %scan3A_21, %mul3A_34 : vector<16x128xf32>
      %eq3A_35 = vector.broadcast %broadcast_in_dim3A_27 : vector<16x1xi32> to vector<16x512xi32>
      %eq3A_36 = arith.cmpi eq, %iota3A, %eq3A_35 : vector<16x512xi32>
      %convert_element_type3A_37 = arith.extui %eq3A_36 : vector<16x512xi1> to vector<16x512xi32>
      %convert_element_type3A_38 = arith.sitofp %convert_element_type3A_37 : vector<16x512xi32> to vector<16x512xf32>
      %mul3A_39 = arith.mulf %get3A_1, %convert_element_type3A_38 : vector<16x512xf32>
      %reduce_sum3A = arith.constant dense<0.000000e+00> : vector<16xf32>
      %reduce_sum3A_40 = vector.multi_reduction <add>, %mul3A_39, %reduce_sum3A [1] : vector<16x512xf32> to vector<16xf32>
      %broadcast_in_dim3A_41 = vector.shape_cast %reduce_sum3A_40 : vector<16xf32> to vector<16x1xf32>
      %mul3A_42 = arith.mulf %get3A_4, %convert_element_type3A_38 : vector<16x512xf32>
      %reduce_sum3A_43 = arith.constant dense<0.000000e+00> : vector<16xf32>
      %reduce_sum3A_44 = vector.multi_reduction <add>, %mul3A_42, %reduce_sum3A_43 [1] : vector<16x512xf32> to vector<16xf32>
      %broadcast_in_dim3A_45 = vector.shape_cast %reduce_sum3A_44 : vector<16xf32> to vector<16x1xf32>
      %mul3A_46 = arith.mulf %get3A_7, %convert_element_type3A_38 : vector<16x512xf32>
      %reduce_sum3A_47 = arith.constant dense<0.000000e+00> : vector<16xf32>
      %reduce_sum3A_48 = vector.multi_reduction <add>, %mul3A_46, %reduce_sum3A_47 [1] : vector<16x512xf32> to vector<16xf32>
      %broadcast_in_dim3A_49 = vector.shape_cast %reduce_sum3A_48 : vector<16xf32> to vector<16x1xf32>
      %sub3A = vector.broadcast %broadcast_in_dim3A_41 : vector<16x1xf32> to vector<16x512xf32>
      %sub3A_50 = arith.subf %get3A_1, %sub3A : vector<16x512xf32>
      %sub3A_51 = vector.broadcast %broadcast_in_dim3A_45 : vector<16x1xf32> to vector<16x512xf32>
      %sub3A_52 = arith.subf %get3A_4, %sub3A_51 : vector<16x512xf32>
      %sub3A_53 = vector.broadcast %broadcast_in_dim3A_49 : vector<16x1xf32> to vector<16x512xf32>
      %sub3A_54 = arith.subf %get3A_7, %sub3A_53 : vector<16x512xf32>
      %mul3A_55 = arith.mulf %sub3A_50, %sub3A_50 : vector<16x512xf32>
      %mul3A_56 = arith.mulf %sub3A_52, %sub3A_52 : vector<16x512xf32>
      %add3A_57 = arith.addf %mul3A_55, %mul3A_56 : vector<16x512xf32>
      %mul3A_58 = arith.mulf %sub3A_54, %sub3A_54 : vector<16x512xf32>
      %add3A_59 = arith.addf %add3A_57, %mul3A_58 : vector<16x512xf32>
      %min3A = arith.minimumf %scan3A_20, %add3A_59 : vector<16x512xf32>
      scf.yield %min3A, %add3A : vector<16x512xf32>, vector<16x128xf32>
    }
    %scan3A_16 = arith.constant 128 : i32
    %convert_element_type3A = arith.fptosi %scan3A_15#1 : vector<16x128xf32> to vector<16x128xi32>
    %swap3A = arith.constant 0 : index
    %swap3A_17 = arith.constant 0 : index
    %swap3A_18 = vector.load %arg3[%swap3A, %swap3A_17] : memref<16x128xi32, #tpu.memory_space<vmem>>, vector<16x128xi32>
    tpu.vector_store %arg3[%swap3A, %swap3A_17], %convert_element_type3A {strides = array<i32>} : memref<16x128xi32, #tpu.memory_space<vmem>>, vector<16x128xi32>,
    return
  }
}

module attributes {stable_mosaic.version = 14 : i64} {
  func.func @_sa_body(%arg0: i32, %arg1: i32, %arg2: memref<1x2048x1xi32, #tpu.memory_space<vmem>>, %arg3: memref<1x2048x6xf32, #tpu.memory_space<vmem>>, %arg4: memref<1x32x3xf32, #tpu.memory_space<vmem>>, %arg5: memref<3x64xf32, #tpu.memory_space<vmem>>, %arg6: memref<6x64xf32, #tpu.memory_space<vmem>>, %arg7: memref<1x64xf32, #tpu.memory_space<vmem>>, %arg8: memref<64x64xf32, #tpu.memory_space<vmem>>, %arg9: memref<1x64xf32, #tpu.memory_space<vmem>>, %arg10: memref<64x128xf32, #tpu.memory_space<vmem>>, %arg11: memref<1x128xf32, #tpu.memory_space<vmem>>, %arg12: memref<1x32x128xf32, #tpu.memory_space<vmem>>) attributes {dimension_semantics = [#tpu.dimension_semantics<arbitrary>, #tpu.dimension_semantics<arbitrary>], iteration_bounds = array<i64: 16, 16>, scalar_prefetch = 0 : i64, scratch_operands = 0 : i64, tpu.core_type = #tpu.core_type<tc>, window_params = [{transform_indices = @transform_0, window_bounds = array<i64: 1, 2048, 1>}, {transform_indices = @transform_1, window_bounds = array<i64: 1, 2048, 6>}, {transform_indices = @transform_2, window_bounds = array<i64: 1, 32, 3>}, {pipeline_mode = #tpu.pipeline_mode<synchronous>, transform_indices = @transform_3, window_bounds = array<i64: 3, 64>}, {pipeline_mode = #tpu.pipeline_mode<synchronous>, transform_indices = @transform_4, window_bounds = array<i64: 6, 64>}, {pipeline_mode = #tpu.pipeline_mode<synchronous>, transform_indices = @transform_5, window_bounds = array<i64: 1, 64>}, {pipeline_mode = #tpu.pipeline_mode<synchronous>, transform_indices = @transform_6, window_bounds = array<i64: 64, 64>}, {pipeline_mode = #tpu.pipeline_mode<synchronous>, transform_indices = @transform_7, window_bounds = array<i64: 1, 64>}, {pipeline_mode = #tpu.pipeline_mode<synchronous>, transform_indices = @transform_8, window_bounds = array<i64: 64, 128>}, {pipeline_mode = #tpu.pipeline_mode<synchronous>, transform_indices = @transform_9, window_bounds = array<i64: 1, 128>}, {transform_indices = @transform_10, window_bounds = array<i64: 1, 32, 128>}]} {
    %get3A = arith.constant 0 : index
    %get3A_0 = arith.constant 0 : index
    %get3A_1 = arith.constant 0 : index
    %get3A_2 = vector.load %arg3[%get3A, %get3A_0, %get3A_1] : memref<1x2048x6xf32, #tpu.memory_space<vmem>>, vector<1x2048x6xf32>
    %get3A_3 = vector.shape_cast %get3A_2 : vector<1x2048x6xf32> to vector<2048x6xf32>
    %get3A_4 = arith.constant 0 : index
    %get3A_5 = arith.constant 0 : index
    %get3A_6 = arith.constant 0 : index
    %get3A_7 = vector.load %arg2[%get3A_4, %get3A_5, %get3A_6] : memref<1x2048x1xi32, #tpu.memory_space<vmem>>, vector<1x2048x1xi32>
    %get3A_8 = vector.shape_cast %get3A_7 : vector<1x2048x1xi32> to vector<2048x1xi32>
    %iota3A = tpu.iota {dimensions = array<i32: 1>} : vector<2048x2048xi32>
    %eq3A = vector.broadcast %get3A_8 : vector<2048x1xi32> to vector<2048x2048xi32>
    %eq3A_9 = arith.cmpi eq, %iota3A, %eq3A : vector<2048x2048xi32>
    %convert_element_type3A = arith.extui %eq3A_9 : vector<2048x2048xi1> to vector<2048x2048xi32>
    %convert_element_type3A_10 = arith.sitofp %convert_element_type3A : vector<2048x2048xi32> to vector<2048x2048xf32>
    %dot_general3A = arith.constant dense<0.000000e+00> : vector<2048x6xf32>
    %dot_general3A_11 = tpu.matmul %convert_element_type3A_10, %get3A_3, %dot_general3A {dimension_numbers = #tpu.dot_dimension_numbers<[1], [0], [0], [1], [0, 0, 1, 1], [], []>, precision = #tpu.contract_precision<fp32>, transpose_lhs_hint = false} : vector<2048x2048xf32>, vector<2048x6xf32>, vector<2048x6xf32> -> vector<2048x6xf32>
    %get3A_12 = arith.constant 0 : index
    %get3A_13 = arith.constant 0 : index
    %get3A_14 = vector.load %arg6[%get3A_12, %get3A_13] : memref<6x64xf32, #tpu.memory_space<vmem>>, vector<6x64xf32>
    %dot_general3A_15 = arith.constant dense<0.000000e+00> : vector<2048x64xf32>
    %dot_general3A_16 = tpu.matmul %dot_general3A_11, %get3A_14, %dot_general3A_15 {dimension_numbers = #tpu.dot_dimension_numbers<[1], [0], [0], [1], [0, 0, 1, 1], [], []>, precision = #tpu.contract_precision<fp32>, transpose_lhs_hint = false} : vector<2048x6xf32>, vector<6x64xf32>, vector<2048x64xf32> -> vector<2048x64xf32>
    %get3A_17 = arith.constant 0 : index
    %get3A_18 = arith.constant 0 : index
    %get3A_19 = vector.load %arg7[%get3A_17, %get3A_18] : memref<1x64xf32, #tpu.memory_space<vmem>>, vector<1x64xf32>
    %add3A = vector.broadcast %get3A_19 : vector<1x64xf32> to vector<2048x64xf32>
    %add3A_20 = arith.addf %dot_general3A_16, %add3A : vector<2048x64xf32>
    %get3A_21 = arith.constant 0 : index
    %get3A_22 = arith.constant 0 : index
    %get3A_23 = arith.constant 0 : index
    %get3A_24 = vector.load %arg4[%get3A_21, %get3A_22, %get3A_23] : memref<1x32x3xf32, #tpu.memory_space<vmem>>, vector<1x32x3xf32>
    %get3A_25 = vector.shape_cast %get3A_24 : vector<1x32x3xf32> to vector<32x3xf32>
    %get3A_26 = arith.constant 0 : index
    %get3A_27 = arith.constant 0 : index
    %get3A_28 = vector.load %arg5[%get3A_26, %get3A_27] : memref<3x64xf32, #tpu.memory_space<vmem>>, vector<3x64xf32>
    %dot_general3A_29 = arith.constant dense<0.000000e+00> : vector<32x64xf32>
    %dot_general3A_30 = tpu.matmul %get3A_25, %get3A_28, %dot_general3A_29 {dimension_numbers = #tpu.dot_dimension_numbers<[1], [0], [0], [1], [0, 0, 1, 1], [], []>, precision = #tpu.contract_precision<fp32>, transpose_lhs_hint = false} : vector<32x3xf32>, vector<3x64xf32>, vector<32x64xf32> -> vector<32x64xf32>
    %reshape3A = vector.shape_cast %add3A_20 : vector<2048x64xf32> to vector<32x64x64xf32>
    %broadcast_in_dim3A = vector.shape_cast %dot_general3A_30 : vector<32x64xf32> to vector<32x1x64xf32>
    %sub3A = vector.broadcast %broadcast_in_dim3A : vector<32x1x64xf32> to vector<32x64x64xf32>
    %sub3A_31 = arith.subf %reshape3A, %sub3A : vector<32x64x64xf32>
    %max3A = arith.constant 0.000000e+00 : f32
    %max3A_32 = vector.broadcast %max3A : f32 to vector<32x64x64xf32>
    %max3A_33 = arith.maximumf %sub3A_31, %max3A_32 : vector<32x64x64xf32>
    %reshape3A_34 = vector.shape_cast %max3A_33 : vector<32x64x64xf32> to vector<2048x64xf32>
    %get3A_35 = arith.constant 0 : index
    %get3A_36 = arith.constant 0 : index
    %get3A_37 = vector.load %arg8[%get3A_35, %get3A_36] : memref<64x64xf32, #tpu.memory_space<vmem>>, vector<64x64xf32>
    %dot_general3A_38 = arith.constant dense<0.000000e+00> : vector<2048x64xf32>
    %dot_general3A_39 = tpu.matmul %reshape3A_34, %get3A_37, %dot_general3A_38 {dimension_numbers = #tpu.dot_dimension_numbers<[1], [0], [0], [1], [0, 0, 1, 1], [], []>, precision = #tpu.contract_precision<fp32>, transpose_lhs_hint = false} : vector<2048x64xf32>, vector<64x64xf32>, vector<2048x64xf32> -> vector<2048x64xf32>
    %get3A_40 = arith.constant 0 : index
    %get3A_41 = arith.constant 0 : index
    %get3A_42 = vector.load %arg9[%get3A_40, %get3A_41] : memref<1x64xf32, #tpu.memory_space<vmem>>, vector<1x64xf32>
    %add3A_43 = vector.broadcast %get3A_42 : vector<1x64xf32> to vector<2048x64xf32>
    %add3A_44 = arith.addf %dot_general3A_39, %add3A_43 : vector<2048x64xf32>
    %max3A_45 = arith.constant 0.000000e+00 : f32
    %max3A_46 = vector.broadcast %max3A_45 : f32 to vector<2048x64xf32>
    %max3A_47 = arith.maximumf %add3A_44, %max3A_46 : vector<2048x64xf32>
    %get3A_48 = arith.constant 0 : index
    %get3A_49 = arith.constant 0 : index
    %get3A_50 = vector.load %arg10[%get3A_48, %get3A_49] : memref<64x128xf32, #tpu.memory_space<vmem>>, vector<64x128xf32>
    %dot_general3A_51 = arith.constant dense<0.000000e+00> : vector<2048x128xf32>
    %dot_general3A_52 = tpu.matmul %max3A_47, %get3A_50, %dot_general3A_51 {dimension_numbers = #tpu.dot_dimension_numbers<[1], [0], [0], [1], [0, 0, 1, 1], [], []>, precision = #tpu.contract_precision<fp32>, transpose_lhs_hint = false} : vector<2048x64xf32>, vector<64x128xf32>, vector<2048x128xf32> -> vector<2048x128xf32>
    %get3A_53 = arith.constant 0 : index
    %get3A_54 = arith.constant 0 : index
    %get3A_55 = vector.load %arg11[%get3A_53, %get3A_54] : memref<1x128xf32, #tpu.memory_space<vmem>>, vector<1x128xf32>
    %add3A_56 = vector.broadcast %get3A_55 : vector<1x128xf32> to vector<2048x128xf32>
    %add3A_57 = arith.addf %dot_general3A_52, %add3A_56 : vector<2048x128xf32>
    %max3A_58 = arith.constant 0.000000e+00 : f32
    %max3A_59 = vector.broadcast %max3A_58 : f32 to vector<2048x128xf32>
    %max3A_60 = arith.maximumf %add3A_57, %max3A_59 : vector<2048x128xf32>
    %reshape3A_61 = vector.shape_cast %max3A_60 : vector<2048x128xf32> to vector<32x64x128xf32>
    %reduce_max3A = arith.constant dense<0xFF800000> : vector<32x128xf32>
    %reduce_max3A_62 = vector.multi_reduction <maximumf>, %reshape3A_61, %reduce_max3A [1] : vector<32x64x128xf32> to vector<32x128xf32>
    %swap3A = arith.constant 0 : index
    %swap3A_63 = arith.constant 0 : index
    %swap3A_64 = arith.constant 0 : index
    %swap3A_65 = vector.load %arg12[%swap3A, %swap3A_63, %swap3A_64] : memref<1x32x128xf32, #tpu.memory_space<vmem>>, vector<1x32x128xf32>
    %swap3A_66 = vector.shape_cast %swap3A_65 : vector<1x32x128xf32> to vector<32x128xf32>
    %swap3A_67 = vector.shape_cast %reduce_max3A_62 : vector<32x128xf32> to vector<1x32x128xf32>
    tpu.vector_store %arg12[%swap3A, %swap3A_63, %swap3A_64], %swap3A_67 {strides = array<i32>} : memref<1x32x128xf32, #tpu.memory_space<vmem>>, vector<1x32x128xf32>,
    return
  }
  func.func @transform_0(%arg0: i32, %arg1: i32) -> (i32, i32, i32) {
    %c0_i32 = arith.constant 0 : i32
    %c0_i32_0 = arith.constant 0 : i32
    return %arg0, %arg1, %c0_i32 : i32, i32, i32
  }
  func.func @transform_1(%arg0: i32, %arg1: i32) -> (i32, i32, i32) {
    %c0_i32 = arith.constant 0 : i32
    %c0_i32_0 = arith.constant 0 : i32
    %c0_i32_1 = arith.constant 0 : i32
    return %arg0, %c0_i32, %c0_i32_0 : i32, i32, i32
  }
  func.func @transform_2(%arg0: i32, %arg1: i32) -> (i32, i32, i32) {
    %c0_i32 = arith.constant 0 : i32
    %c0_i32_0 = arith.constant 0 : i32
    return %arg0, %arg1, %c0_i32 : i32, i32, i32
  }
  func.func @transform_3(%arg0: i32, %arg1: i32) -> (i32, i32) {
    %c0_i32 = arith.constant 0 : i32
    %c0_i32_0 = arith.constant 0 : i32
    %c0_i32_1 = arith.constant 0 : i32
    return %c0_i32, %c0_i32_0 : i32, i32
  }
  func.func @transform_4(%arg0: i32, %arg1: i32) -> (i32, i32) {
    %c0_i32 = arith.constant 0 : i32
    %c0_i32_0 = arith.constant 0 : i32
    %c0_i32_1 = arith.constant 0 : i32
    return %c0_i32, %c0_i32_0 : i32, i32
  }
  func.func @transform_5(%arg0: i32, %arg1: i32) -> (i32, i32) {
    %c0_i32 = arith.constant 0 : i32
    %c0_i32_0 = arith.constant 0 : i32
    %c0_i32_1 = arith.constant 0 : i32
    return %c0_i32, %c0_i32_0 : i32, i32
  }
  func.func @transform_6(%arg0: i32, %arg1: i32) -> (i32, i32) {
    %c0_i32 = arith.constant 0 : i32
    %c0_i32_0 = arith.constant 0 : i32
    %c0_i32_1 = arith.constant 0 : i32
    return %c0_i32, %c0_i32_0 : i32, i32
  }
  func.func @transform_7(%arg0: i32, %arg1: i32) -> (i32, i32) {
    %c0_i32 = arith.constant 0 : i32
    %c0_i32_0 = arith.constant 0 : i32
    %c0_i32_1 = arith.constant 0 : i32
    return %c0_i32, %c0_i32_0 : i32, i32
  }
  func.func @transform_8(%arg0: i32, %arg1: i32) -> (i32, i32) {
    %c0_i32 = arith.constant 0 : i32
    %c0_i32_0 = arith.constant 0 : i32
    %c0_i32_1 = arith.constant 0 : i32
    return %c0_i32, %c0_i32_0 : i32, i32
  }
  func.func @transform_9(%arg0: i32, %arg1: i32) -> (i32, i32) {
    %c0_i32 = arith.constant 0 : i32
    %c0_i32_0 = arith.constant 0 : i32
    %c0_i32_1 = arith.constant 0 : i32
    return %c0_i32, %c0_i32_0 : i32, i32
  }
  func.func @transform_10(%arg0: i32, %arg1: i32) -> (i32, i32, i32) {
    %c0_i32 = arith.constant 0 : i32
    %c0_i32_0 = arith.constant 0 : i32
    return %arg0, %arg1, %c0_i32 : i32, i32, i32
  }
}

module attributes {stable_mosaic.version = 14 : i64} {
  func.func @_sa_body(%arg0: i32, %arg1: i32, %arg2: memref<1x2048x1xi32, #tpu.memory_space<vmem>>, %arg3: memref<1x2048x6xf32, #tpu.memory_space<vmem>>, %arg4: memref<1x64x3xf32, #tpu.memory_space<vmem>>, %arg5: memref<3x32xf32, #tpu.memory_space<vmem>>, %arg6: memref<6x32xf32, #tpu.memory_space<vmem>>, %arg7: memref<1x32xf32, #tpu.memory_space<vmem>>, %arg8: memref<32x32xf32, #tpu.memory_space<vmem>>, %arg9: memref<1x32xf32, #tpu.memory_space<vmem>>, %arg10: memref<32x64xf32, #tpu.memory_space<vmem>>, %arg11: memref<1x64xf32, #tpu.memory_space<vmem>>, %arg12: memref<1x64x64xf32, #tpu.memory_space<vmem>>) attributes {dimension_semantics = [#tpu.dimension_semantics<arbitrary>, #tpu.dimension_semantics<arbitrary>], iteration_bounds = array<i64: 16, 8>, scalar_prefetch = 0 : i64, scratch_operands = 0 : i64, tpu.core_type = #tpu.core_type<tc>, window_params = [{transform_indices = @transform_0, window_bounds = array<i64: 1, 2048, 1>}, {transform_indices = @transform_1, window_bounds = array<i64: 1, 2048, 6>}, {transform_indices = @transform_2, window_bounds = array<i64: 1, 64, 3>}, {pipeline_mode = #tpu.pipeline_mode<synchronous>, transform_indices = @transform_3, window_bounds = array<i64: 3, 32>}, {pipeline_mode = #tpu.pipeline_mode<synchronous>, transform_indices = @transform_4, window_bounds = array<i64: 6, 32>}, {pipeline_mode = #tpu.pipeline_mode<synchronous>, transform_indices = @transform_5, window_bounds = array<i64: 1, 32>}, {pipeline_mode = #tpu.pipeline_mode<synchronous>, transform_indices = @transform_6, window_bounds = array<i64: 32, 32>}, {pipeline_mode = #tpu.pipeline_mode<synchronous>, transform_indices = @transform_7, window_bounds = array<i64: 1, 32>}, {pipeline_mode = #tpu.pipeline_mode<synchronous>, transform_indices = @transform_8, window_bounds = array<i64: 32, 64>}, {pipeline_mode = #tpu.pipeline_mode<synchronous>, transform_indices = @transform_9, window_bounds = array<i64: 1, 64>}, {transform_indices = @transform_10, window_bounds = array<i64: 1, 64, 64>}]} {
    %get3A = arith.constant 0 : index
    %get3A_0 = arith.constant 0 : index
    %get3A_1 = arith.constant 0 : index
    %get3A_2 = vector.load %arg3[%get3A, %get3A_0, %get3A_1] : memref<1x2048x6xf32, #tpu.memory_space<vmem>>, vector<1x2048x6xf32>
    %get3A_3 = vector.shape_cast %get3A_2 : vector<1x2048x6xf32> to vector<2048x6xf32>
    %get3A_4 = arith.constant 0 : index
    %get3A_5 = arith.constant 0 : index
    %get3A_6 = arith.constant 0 : index
    %get3A_7 = vector.load %arg2[%get3A_4, %get3A_5, %get3A_6] : memref<1x2048x1xi32, #tpu.memory_space<vmem>>, vector<1x2048x1xi32>
    %get3A_8 = vector.shape_cast %get3A_7 : vector<1x2048x1xi32> to vector<2048x1xi32>
    %iota3A = tpu.iota {dimensions = array<i32: 1>} : vector<2048x2048xi32>
    %eq3A = vector.broadcast %get3A_8 : vector<2048x1xi32> to vector<2048x2048xi32>
    %eq3A_9 = arith.cmpi eq, %iota3A, %eq3A : vector<2048x2048xi32>
    %convert_element_type3A = arith.extui %eq3A_9 : vector<2048x2048xi1> to vector<2048x2048xi32>
    %convert_element_type3A_10 = arith.sitofp %convert_element_type3A : vector<2048x2048xi32> to vector<2048x2048xf32>
    %dot_general3A = arith.constant dense<0.000000e+00> : vector<2048x6xf32>
    %dot_general3A_11 = tpu.matmul %convert_element_type3A_10, %get3A_3, %dot_general3A {dimension_numbers = #tpu.dot_dimension_numbers<[1], [0], [0], [1], [0, 0, 1, 1], [], []>, precision = #tpu.contract_precision<fp32>, transpose_lhs_hint = false} : vector<2048x2048xf32>, vector<2048x6xf32>, vector<2048x6xf32> -> vector<2048x6xf32>
    %get3A_12 = arith.constant 0 : index
    %get3A_13 = arith.constant 0 : index
    %get3A_14 = vector.load %arg6[%get3A_12, %get3A_13] : memref<6x32xf32, #tpu.memory_space<vmem>>, vector<6x32xf32>
    %dot_general3A_15 = arith.constant dense<0.000000e+00> : vector<2048x32xf32>
    %dot_general3A_16 = tpu.matmul %dot_general3A_11, %get3A_14, %dot_general3A_15 {dimension_numbers = #tpu.dot_dimension_numbers<[1], [0], [0], [1], [0, 0, 1, 1], [], []>, precision = #tpu.contract_precision<fp32>, transpose_lhs_hint = false} : vector<2048x6xf32>, vector<6x32xf32>, vector<2048x32xf32> -> vector<2048x32xf32>
    %get3A_17 = arith.constant 0 : index
    %get3A_18 = arith.constant 0 : index
    %get3A_19 = vector.load %arg7[%get3A_17, %get3A_18] : memref<1x32xf32, #tpu.memory_space<vmem>>, vector<1x32xf32>
    %add3A = vector.broadcast %get3A_19 : vector<1x32xf32> to vector<2048x32xf32>
    %add3A_20 = arith.addf %dot_general3A_16, %add3A : vector<2048x32xf32>
    %get3A_21 = arith.constant 0 : index
    %get3A_22 = arith.constant 0 : index
    %get3A_23 = arith.constant 0 : index
    %get3A_24 = vector.load %arg4[%get3A_21, %get3A_22, %get3A_23] : memref<1x64x3xf32, #tpu.memory_space<vmem>>, vector<1x64x3xf32>
    %get3A_25 = vector.shape_cast %get3A_24 : vector<1x64x3xf32> to vector<64x3xf32>
    %get3A_26 = arith.constant 0 : index
    %get3A_27 = arith.constant 0 : index
    %get3A_28 = vector.load %arg5[%get3A_26, %get3A_27] : memref<3x32xf32, #tpu.memory_space<vmem>>, vector<3x32xf32>
    %dot_general3A_29 = arith.constant dense<0.000000e+00> : vector<64x32xf32>
    %dot_general3A_30 = tpu.matmul %get3A_25, %get3A_28, %dot_general3A_29 {dimension_numbers = #tpu.dot_dimension_numbers<[1], [0], [0], [1], [0, 0, 1, 1], [], []>, precision = #tpu.contract_precision<fp32>, transpose_lhs_hint = false} : vector<64x3xf32>, vector<3x32xf32>, vector<64x32xf32> -> vector<64x32xf32>
    %reshape3A = vector.shape_cast %add3A_20 : vector<2048x32xf32> to vector<64x32x32xf32>
    %broadcast_in_dim3A = vector.shape_cast %dot_general3A_30 : vector<64x32xf32> to vector<64x1x32xf32>
    %sub3A = vector.broadcast %broadcast_in_dim3A : vector<64x1x32xf32> to vector<64x32x32xf32>
    %sub3A_31 = arith.subf %reshape3A, %sub3A : vector<64x32x32xf32>
    %max3A = arith.constant 0.000000e+00 : f32
    %max3A_32 = vector.broadcast %max3A : f32 to vector<64x32x32xf32>
    %max3A_33 = arith.maximumf %sub3A_31, %max3A_32 : vector<64x32x32xf32>
    %reshape3A_34 = vector.shape_cast %max3A_33 : vector<64x32x32xf32> to vector<2048x32xf32>
    %get3A_35 = arith.constant 0 : index
    %get3A_36 = arith.constant 0 : index
    %get3A_37 = vector.load %arg8[%get3A_35, %get3A_36] : memref<32x32xf32, #tpu.memory_space<vmem>>, vector<32x32xf32>
    %dot_general3A_38 = arith.constant dense<0.000000e+00> : vector<2048x32xf32>
    %dot_general3A_39 = tpu.matmul %reshape3A_34, %get3A_37, %dot_general3A_38 {dimension_numbers = #tpu.dot_dimension_numbers<[1], [0], [0], [1], [0, 0, 1, 1], [], []>, precision = #tpu.contract_precision<fp32>, transpose_lhs_hint = false} : vector<2048x32xf32>, vector<32x32xf32>, vector<2048x32xf32> -> vector<2048x32xf32>
    %get3A_40 = arith.constant 0 : index
    %get3A_41 = arith.constant 0 : index
    %get3A_42 = vector.load %arg9[%get3A_40, %get3A_41] : memref<1x32xf32, #tpu.memory_space<vmem>>, vector<1x32xf32>
    %add3A_43 = vector.broadcast %get3A_42 : vector<1x32xf32> to vector<2048x32xf32>
    %add3A_44 = arith.addf %dot_general3A_39, %add3A_43 : vector<2048x32xf32>
    %max3A_45 = arith.constant 0.000000e+00 : f32
    %max3A_46 = vector.broadcast %max3A_45 : f32 to vector<2048x32xf32>
    %max3A_47 = arith.maximumf %add3A_44, %max3A_46 : vector<2048x32xf32>
    %get3A_48 = arith.constant 0 : index
    %get3A_49 = arith.constant 0 : index
    %get3A_50 = vector.load %arg10[%get3A_48, %get3A_49] : memref<32x64xf32, #tpu.memory_space<vmem>>, vector<32x64xf32>
    %dot_general3A_51 = arith.constant dense<0.000000e+00> : vector<2048x64xf32>
    %dot_general3A_52 = tpu.matmul %max3A_47, %get3A_50, %dot_general3A_51 {dimension_numbers = #tpu.dot_dimension_numbers<[1], [0], [0], [1], [0, 0, 1, 1], [], []>, precision = #tpu.contract_precision<fp32>, transpose_lhs_hint = false} : vector<2048x32xf32>, vector<32x64xf32>, vector<2048x64xf32> -> vector<2048x64xf32>
    %get3A_53 = arith.constant 0 : index
    %get3A_54 = arith.constant 0 : index
    %get3A_55 = vector.load %arg11[%get3A_53, %get3A_54] : memref<1x64xf32, #tpu.memory_space<vmem>>, vector<1x64xf32>
    %add3A_56 = vector.broadcast %get3A_55 : vector<1x64xf32> to vector<2048x64xf32>
    %add3A_57 = arith.addf %dot_general3A_52, %add3A_56 : vector<2048x64xf32>
    %max3A_58 = arith.constant 0.000000e+00 : f32
    %max3A_59 = vector.broadcast %max3A_58 : f32 to vector<2048x64xf32>
    %max3A_60 = arith.maximumf %add3A_57, %max3A_59 : vector<2048x64xf32>
    %reshape3A_61 = vector.shape_cast %max3A_60 : vector<2048x64xf32> to vector<64x32x64xf32>
    %reduce_max3A = arith.constant dense<0xFF800000> : vector<64x64xf32>
    %reduce_max3A_62 = vector.multi_reduction <maximumf>, %reshape3A_61, %reduce_max3A [1] : vector<64x32x64xf32> to vector<64x64xf32>
    %swap3A = arith.constant 0 : index
    %swap3A_63 = arith.constant 0 : index
    %swap3A_64 = arith.constant 0 : index
    %swap3A_65 = vector.load %arg12[%swap3A, %swap3A_63, %swap3A_64] : memref<1x64x64xf32, #tpu.memory_space<vmem>>, vector<1x64x64xf32>
    %swap3A_66 = vector.shape_cast %swap3A_65 : vector<1x64x64xf32> to vector<64x64xf32>
    %swap3A_67 = vector.shape_cast %reduce_max3A_62 : vector<64x64xf32> to vector<1x64x64xf32>
    tpu.vector_store %arg12[%swap3A, %swap3A_63, %swap3A_64], %swap3A_67 {strides = array<i32>} : memref<1x64x64xf32, #tpu.memory_space<vmem>>, vector<1x64x64xf32>,
    return
  }
  func.func @transform_0(%arg0: i32, %arg1: i32) -> (i32, i32, i32) {
    %c0_i32 = arith.constant 0 : i32
    %c0_i32_0 = arith.constant 0 : i32
    return %arg0, %arg1, %c0_i32 : i32, i32, i32
  }
  func.func @transform_1(%arg0: i32, %arg1: i32) -> (i32, i32, i32) {
    %c0_i32 = arith.constant 0 : i32
    %c0_i32_0 = arith.constant 0 : i32
    %c0_i32_1 = arith.constant 0 : i32
    return %arg0, %c0_i32, %c0_i32_0 : i32, i32, i32
  }
  func.func @transform_2(%arg0: i32, %arg1: i32) -> (i32, i32, i32) {
    %c0_i32 = arith.constant 0 : i32
    %c0_i32_0 = arith.constant 0 : i32
    return %arg0, %arg1, %c0_i32 : i32, i32, i32
  }
  func.func @transform_3(%arg0: i32, %arg1: i32) -> (i32, i32) {
    %c0_i32 = arith.constant 0 : i32
    %c0_i32_0 = arith.constant 0 : i32
    %c0_i32_1 = arith.constant 0 : i32
    return %c0_i32, %c0_i32_0 : i32, i32
  }
  func.func @transform_4(%arg0: i32, %arg1: i32) -> (i32, i32) {
    %c0_i32 = arith.constant 0 : i32
    %c0_i32_0 = arith.constant 0 : i32
    %c0_i32_1 = arith.constant 0 : i32
    return %c0_i32, %c0_i32_0 : i32, i32
  }
  func.func @transform_5(%arg0: i32, %arg1: i32) -> (i32, i32) {
    %c0_i32 = arith.constant 0 : i32
    %c0_i32_0 = arith.constant 0 : i32
    %c0_i32_1 = arith.constant 0 : i32
    return %c0_i32, %c0_i32_0 : i32, i32
  }
  func.func @transform_6(%arg0: i32, %arg1: i32) -> (i32, i32) {
    %c0_i32 = arith.constant 0 : i32
    %c0_i32_0 = arith.constant 0 : i32
    %c0_i32_1 = arith.constant 0 : i32
    return %c0_i32, %c0_i32_0 : i32, i32
  }
  func.func @transform_7(%arg0: i32, %arg1: i32) -> (i32, i32) {
    %c0_i32 = arith.constant 0 : i32
    %c0_i32_0 = arith.constant 0 : i32
    %c0_i32_1 = arith.constant 0 : i32
    return %c0_i32, %c0_i32_0 : i32, i32
  }
  func.func @transform_8(%arg0: i32, %arg1: i32) -> (i32, i32) {
    %c0_i32 = arith.constant 0 : i32
    %c0_i32_0 = arith.constant 0 : i32
    %c0_i32_1 = arith.constant 0 : i32
    return %c0_i32, %c0_i32_0 : i32, i32
  }
  func.func @transform_9(%arg0: i32, %arg1: i32) -> (i32, i32) {
    %c0_i32 = arith.constant 0 : i32
    %c0_i32_0 = arith.constant 0 : i32
    %c0_i32_1 = arith.constant 0 : i32
    return %c0_i32, %c0_i32_0 : i32, i32
  }
  func.func @transform_10(%arg0: i32, %arg1: i32) -> (i32, i32, i32) {
    %c0_i32 = arith.constant 0 : i32
    %c0_i32_0 = arith.constant 0 : i32
    return %arg0, %arg1, %c0_i32 : i32, i32, i32
  }
}

module attributes {stable_mosaic.version = 14 : i64} {
  func.func @_sa_body(%arg0: i32, %arg1: i32, %arg2: memref<1x2048x1xi32, #tpu.memory_space<vmem>>, %arg3: memref<1x2048x6xf32, #tpu.memory_space<vmem>>, %arg4: memref<1x16x3xf32, #tpu.memory_space<vmem>>, %arg5: memref<3x64xf32, #tpu.memory_space<vmem>>, %arg6: memref<6x64xf32, #tpu.memory_space<vmem>>, %arg7: memref<1x64xf32, #tpu.memory_space<vmem>>, %arg8: memref<64x96xf32, #tpu.memory_space<vmem>>, %arg9: memref<1x96xf32, #tpu.memory_space<vmem>>, %arg10: memref<96x128xf32, #tpu.memory_space<vmem>>, %arg11: memref<1x128xf32, #tpu.memory_space<vmem>>, %arg12: memref<1x16x128xf32, #tpu.memory_space<vmem>>) attributes {dimension_semantics = [#tpu.dimension_semantics<arbitrary>, #tpu.dimension_semantics<arbitrary>], iteration_bounds = array<i64: 16, 32>, scalar_prefetch = 0 : i64, scratch_operands = 0 : i64, tpu.core_type = #tpu.core_type<tc>, window_params = [{transform_indices = @transform_0, window_bounds = array<i64: 1, 2048, 1>}, {transform_indices = @transform_1, window_bounds = array<i64: 1, 2048, 6>}, {transform_indices = @transform_2, window_bounds = array<i64: 1, 16, 3>}, {pipeline_mode = #tpu.pipeline_mode<synchronous>, transform_indices = @transform_3, window_bounds = array<i64: 3, 64>}, {pipeline_mode = #tpu.pipeline_mode<synchronous>, transform_indices = @transform_4, window_bounds = array<i64: 6, 64>}, {pipeline_mode = #tpu.pipeline_mode<synchronous>, transform_indices = @transform_5, window_bounds = array<i64: 1, 64>}, {pipeline_mode = #tpu.pipeline_mode<synchronous>, transform_indices = @transform_6, window_bounds = array<i64: 64, 96>}, {pipeline_mode = #tpu.pipeline_mode<synchronous>, transform_indices = @transform_7, window_bounds = array<i64: 1, 96>}, {pipeline_mode = #tpu.pipeline_mode<synchronous>, transform_indices = @transform_8, window_bounds = array<i64: 96, 128>}, {pipeline_mode = #tpu.pipeline_mode<synchronous>, transform_indices = @transform_9, window_bounds = array<i64: 1, 128>}, {transform_indices = @transform_10, window_bounds = array<i64: 1, 16, 128>}]} {
    %get3A = arith.constant 0 : index
    %get3A_0 = arith.constant 0 : index
    %get3A_1 = arith.constant 0 : index
    %get3A_2 = vector.load %arg3[%get3A, %get3A_0, %get3A_1] : memref<1x2048x6xf32, #tpu.memory_space<vmem>>, vector<1x2048x6xf32>
    %get3A_3 = vector.shape_cast %get3A_2 : vector<1x2048x6xf32> to vector<2048x6xf32>
    %get3A_4 = arith.constant 0 : index
    %get3A_5 = arith.constant 0 : index
    %get3A_6 = arith.constant 0 : index
    %get3A_7 = vector.load %arg2[%get3A_4, %get3A_5, %get3A_6] : memref<1x2048x1xi32, #tpu.memory_space<vmem>>, vector<1x2048x1xi32>
    %get3A_8 = vector.shape_cast %get3A_7 : vector<1x2048x1xi32> to vector<2048x1xi32>
    %iota3A = tpu.iota {dimensions = array<i32: 1>} : vector<2048x2048xi32>
    %eq3A = vector.broadcast %get3A_8 : vector<2048x1xi32> to vector<2048x2048xi32>
    %eq3A_9 = arith.cmpi eq, %iota3A, %eq3A : vector<2048x2048xi32>
    %convert_element_type3A = arith.extui %eq3A_9 : vector<2048x2048xi1> to vector<2048x2048xi32>
    %convert_element_type3A_10 = arith.sitofp %convert_element_type3A : vector<2048x2048xi32> to vector<2048x2048xf32>
    %dot_general3A = arith.constant dense<0.000000e+00> : vector<2048x6xf32>
    %dot_general3A_11 = tpu.matmul %convert_element_type3A_10, %get3A_3, %dot_general3A {dimension_numbers = #tpu.dot_dimension_numbers<[1], [0], [0], [1], [0, 0, 1, 1], [], []>, precision = #tpu.contract_precision<fp32>, transpose_lhs_hint = false} : vector<2048x2048xf32>, vector<2048x6xf32>, vector<2048x6xf32> -> vector<2048x6xf32>
    %get3A_12 = arith.constant 0 : index
    %get3A_13 = arith.constant 0 : index
    %get3A_14 = vector.load %arg6[%get3A_12, %get3A_13] : memref<6x64xf32, #tpu.memory_space<vmem>>, vector<6x64xf32>
    %dot_general3A_15 = arith.constant dense<0.000000e+00> : vector<2048x64xf32>
    %dot_general3A_16 = tpu.matmul %dot_general3A_11, %get3A_14, %dot_general3A_15 {dimension_numbers = #tpu.dot_dimension_numbers<[1], [0], [0], [1], [0, 0, 1, 1], [], []>, precision = #tpu.contract_precision<fp32>, transpose_lhs_hint = false} : vector<2048x6xf32>, vector<6x64xf32>, vector<2048x64xf32> -> vector<2048x64xf32>
    %get3A_17 = arith.constant 0 : index
    %get3A_18 = arith.constant 0 : index
    %get3A_19 = vector.load %arg7[%get3A_17, %get3A_18] : memref<1x64xf32, #tpu.memory_space<vmem>>, vector<1x64xf32>
    %add3A = vector.broadcast %get3A_19 : vector<1x64xf32> to vector<2048x64xf32>
    %add3A_20 = arith.addf %dot_general3A_16, %add3A : vector<2048x64xf32>
    %get3A_21 = arith.constant 0 : index
    %get3A_22 = arith.constant 0 : index
    %get3A_23 = arith.constant 0 : index
    %get3A_24 = vector.load %arg4[%get3A_21, %get3A_22, %get3A_23] : memref<1x16x3xf32, #tpu.memory_space<vmem>>, vector<1x16x3xf32>
    %get3A_25 = vector.shape_cast %get3A_24 : vector<1x16x3xf32> to vector<16x3xf32>
    %get3A_26 = arith.constant 0 : index
    %get3A_27 = arith.constant 0 : index
    %get3A_28 = vector.load %arg5[%get3A_26, %get3A_27] : memref<3x64xf32, #tpu.memory_space<vmem>>, vector<3x64xf32>
    %dot_general3A_29 = arith.constant dense<0.000000e+00> : vector<16x64xf32>
    %dot_general3A_30 = tpu.matmul %get3A_25, %get3A_28, %dot_general3A_29 {dimension_numbers = #tpu.dot_dimension_numbers<[1], [0], [0], [1], [0, 0, 1, 1], [], []>, precision = #tpu.contract_precision<fp32>, transpose_lhs_hint = false} : vector<16x3xf32>, vector<3x64xf32>, vector<16x64xf32> -> vector<16x64xf32>
    %reshape3A = vector.shape_cast %add3A_20 : vector<2048x64xf32> to vector<16x128x64xf32>
    %broadcast_in_dim3A = vector.shape_cast %dot_general3A_30 : vector<16x64xf32> to vector<16x1x64xf32>
    %sub3A = vector.broadcast %broadcast_in_dim3A : vector<16x1x64xf32> to vector<16x128x64xf32>
    %sub3A_31 = arith.subf %reshape3A, %sub3A : vector<16x128x64xf32>
    %max3A = arith.constant 0.000000e+00 : f32
    %max3A_32 = vector.broadcast %max3A : f32 to vector<16x128x64xf32>
    %max3A_33 = arith.maximumf %sub3A_31, %max3A_32 : vector<16x128x64xf32>
    %reshape3A_34 = vector.shape_cast %max3A_33 : vector<16x128x64xf32> to vector<2048x64xf32>
    %get3A_35 = arith.constant 0 : index
    %get3A_36 = arith.constant 0 : index
    %get3A_37 = vector.load %arg8[%get3A_35, %get3A_36] : memref<64x96xf32, #tpu.memory_space<vmem>>, vector<64x96xf32>
    %dot_general3A_38 = arith.constant dense<0.000000e+00> : vector<2048x96xf32>
    %dot_general3A_39 = tpu.matmul %reshape3A_34, %get3A_37, %dot_general3A_38 {dimension_numbers = #tpu.dot_dimension_numbers<[1], [0], [0], [1], [0, 0, 1, 1], [], []>, precision = #tpu.contract_precision<fp32>, transpose_lhs_hint = false} : vector<2048x64xf32>, vector<64x96xf32>, vector<2048x96xf32> -> vector<2048x96xf32>
    %get3A_40 = arith.constant 0 : index
    %get3A_41 = arith.constant 0 : index
    %get3A_42 = vector.load %arg9[%get3A_40, %get3A_41] : memref<1x96xf32, #tpu.memory_space<vmem>>, vector<1x96xf32>
    %add3A_43 = vector.broadcast %get3A_42 : vector<1x96xf32> to vector<2048x96xf32>
    %add3A_44 = arith.addf %dot_general3A_39, %add3A_43 : vector<2048x96xf32>
    %max3A_45 = arith.constant 0.000000e+00 : f32
    %max3A_46 = vector.broadcast %max3A_45 : f32 to vector<2048x96xf32>
    %max3A_47 = arith.maximumf %add3A_44, %max3A_46 : vector<2048x96xf32>
    %get3A_48 = arith.constant 0 : index
    %get3A_49 = arith.constant 0 : index
    %get3A_50 = vector.load %arg10[%get3A_48, %get3A_49] : memref<96x128xf32, #tpu.memory_space<vmem>>, vector<96x128xf32>
    %dot_general3A_51 = arith.constant dense<0.000000e+00> : vector<2048x128xf32>
    %dot_general3A_52 = tpu.matmul %max3A_47, %get3A_50, %dot_general3A_51 {dimension_numbers = #tpu.dot_dimension_numbers<[1], [0], [0], [1], [0, 0, 1, 1], [], []>, precision = #tpu.contract_precision<fp32>, transpose_lhs_hint = false} : vector<2048x96xf32>, vector<96x128xf32>, vector<2048x128xf32> -> vector<2048x128xf32>
    %get3A_53 = arith.constant 0 : index
    %get3A_54 = arith.constant 0 : index
    %get3A_55 = vector.load %arg11[%get3A_53, %get3A_54] : memref<1x128xf32, #tpu.memory_space<vmem>>, vector<1x128xf32>
    %add3A_56 = vector.broadcast %get3A_55 : vector<1x128xf32> to vector<2048x128xf32>
    %add3A_57 = arith.addf %dot_general3A_52, %add3A_56 : vector<2048x128xf32>
    %max3A_58 = arith.constant 0.000000e+00 : f32
    %max3A_59 = vector.broadcast %max3A_58 : f32 to vector<2048x128xf32>
    %max3A_60 = arith.maximumf %add3A_57, %max3A_59 : vector<2048x128xf32>
    %reshape3A_61 = vector.shape_cast %max3A_60 : vector<2048x128xf32> to vector<16x128x128xf32>
    %reduce_max3A = arith.constant dense<0xFF800000> : vector<16x128xf32>
    %reduce_max3A_62 = vector.multi_reduction <maximumf>, %reshape3A_61, %reduce_max3A [1] : vector<16x128x128xf32> to vector<16x128xf32>
    %swap3A = arith.constant 0 : index
    %swap3A_63 = arith.constant 0 : index
    %swap3A_64 = arith.constant 0 : index
    %swap3A_65 = vector.load %arg12[%swap3A, %swap3A_63, %swap3A_64] : memref<1x16x128xf32, #tpu.memory_space<vmem>>, vector<1x16x128xf32>
    %swap3A_66 = vector.shape_cast %swap3A_65 : vector<1x16x128xf32> to vector<16x128xf32>
    %swap3A_67 = vector.shape_cast %reduce_max3A_62 : vector<16x128xf32> to vector<1x16x128xf32>
    tpu.vector_store %arg12[%swap3A, %swap3A_63, %swap3A_64], %swap3A_67 {strides = array<i32>} : memref<1x16x128xf32, #tpu.memory_space<vmem>>, vector<1x16x128xf32>,
    return
  }
  func.func @transform_0(%arg0: i32, %arg1: i32) -> (i32, i32, i32) {
    %c0_i32 = arith.constant 0 : i32
    %c0_i32_0 = arith.constant 0 : i32
    return %arg0, %arg1, %c0_i32 : i32, i32, i32
  }
  func.func @transform_1(%arg0: i32, %arg1: i32) -> (i32, i32, i32) {
    %c0_i32 = arith.constant 0 : i32
    %c0_i32_0 = arith.constant 0 : i32
    %c0_i32_1 = arith.constant 0 : i32
    return %arg0, %c0_i32, %c0_i32_0 : i32, i32, i32
  }
  func.func @transform_2(%arg0: i32, %arg1: i32) -> (i32, i32, i32) {
    %c0_i32 = arith.constant 0 : i32
    %c0_i32_0 = arith.constant 0 : i32
    return %arg0, %arg1, %c0_i32 : i32, i32, i32
  }
  func.func @transform_3(%arg0: i32, %arg1: i32) -> (i32, i32) {
    %c0_i32 = arith.constant 0 : i32
    %c0_i32_0 = arith.constant 0 : i32
    %c0_i32_1 = arith.constant 0 : i32
    return %c0_i32, %c0_i32_0 : i32, i32
  }
  func.func @transform_4(%arg0: i32, %arg1: i32) -> (i32, i32) {
    %c0_i32 = arith.constant 0 : i32
    %c0_i32_0 = arith.constant 0 : i32
    %c0_i32_1 = arith.constant 0 : i32
    return %c0_i32, %c0_i32_0 : i32, i32
  }
  func.func @transform_5(%arg0: i32, %arg1: i32) -> (i32, i32) {
    %c0_i32 = arith.constant 0 : i32
    %c0_i32_0 = arith.constant 0 : i32
    %c0_i32_1 = arith.constant 0 : i32
    return %c0_i32, %c0_i32_0 : i32, i32
  }
  func.func @transform_6(%arg0: i32, %arg1: i32) -> (i32, i32) {
    %c0_i32 = arith.constant 0 : i32
    %c0_i32_0 = arith.constant 0 : i32
    %c0_i32_1 = arith.constant 0 : i32
    return %c0_i32, %c0_i32_0 : i32, i32
  }
  func.func @transform_7(%arg0: i32, %arg1: i32) -> (i32, i32) {
    %c0_i32 = arith.constant 0 : i32
    %c0_i32_0 = arith.constant 0 : i32
    %c0_i32_1 = arith.constant 0 : i32
    return %c0_i32, %c0_i32_0 : i32, i32
  }
  func.func @transform_8(%arg0: i32, %arg1: i32) -> (i32, i32) {
    %c0_i32 = arith.constant 0 : i32
    %c0_i32_0 = arith.constant 0 : i32
    %c0_i32_1 = arith.constant 0 : i32
    return %c0_i32, %c0_i32_0 : i32, i32
  }
  func.func @transform_9(%arg0: i32, %arg1: i32) -> (i32, i32) {
    %c0_i32 = arith.constant 0 : i32
    %c0_i32_0 = arith.constant 0 : i32
    %c0_i32_1 = arith.constant 0 : i32
    return %c0_i32, %c0_i32_0 : i32, i32
  }
  func.func @transform_10(%arg0: i32, %arg1: i32) -> (i32, i32, i32) {
    %c0_i32 = arith.constant 0 : i32
    %c0_i32_0 = arith.constant 0 : i32
    return %arg0, %arg1, %c0_i32 : i32, i32, i32
  }
}

module attributes {stable_mosaic.version = 14 : i64} {
  func.func @_sa_body(%arg0: i32, %arg1: i32, %arg2: memref<1x2048x1xi32, #tpu.memory_space<vmem>>, %arg3: memref<1x512x323xf32, #tpu.memory_space<vmem>>, %arg4: memref<1x32x3xf32, #tpu.memory_space<vmem>>, %arg5: memref<3x128xf32, #tpu.memory_space<vmem>>, %arg6: memref<323x128xf32, #tpu.memory_space<vmem>>, %arg7: memref<1x128xf32, #tpu.memory_space<vmem>>, %arg8: memref<128x128xf32, #tpu.memory_space<vmem>>, %arg9: memref<1x128xf32, #tpu.memory_space<vmem>>, %arg10: memref<128x256xf32, #tpu.memory_space<vmem>>, %arg11: memref<1x256xf32, #tpu.memory_space<vmem>>, %arg12: memref<1x32x256xf32, #tpu.memory_space<vmem>>) attributes {dimension_semantics = [#tpu.dimension_semantics<arbitrary>, #tpu.dimension_semantics<arbitrary>], iteration_bounds = array<i64: 16, 4>, scalar_prefetch = 0 : i64, scratch_operands = 0 : i64, tpu.core_type = #tpu.core_type<tc>, window_params = [{transform_indices = @transform_0, window_bounds = array<i64: 1, 2048, 1>}, {transform_indices = @transform_1, window_bounds = array<i64: 1, 512, 323>}, {transform_indices = @transform_2, window_bounds = array<i64: 1, 32, 3>}, {pipeline_mode = #tpu.pipeline_mode<synchronous>, transform_indices = @transform_3, window_bounds = array<i64: 3, 128>}, {pipeline_mode = #tpu.pipeline_mode<synchronous>, transform_indices = @transform_4, window_bounds = array<i64: 323, 128>}, {pipeline_mode = #tpu.pipeline_mode<synchronous>, transform_indices = @transform_5, window_bounds = array<i64: 1, 128>}, {pipeline_mode = #tpu.pipeline_mode<synchronous>, transform_indices = @transform_6, window_bounds = array<i64: 128, 128>}, {pipeline_mode = #tpu.pipeline_mode<synchronous>, transform_indices = @transform_7, window_bounds = array<i64: 1, 128>}, {pipeline_mode = #tpu.pipeline_mode<synchronous>, transform_indices = @transform_8, window_bounds = array<i64: 128, 256>}, {pipeline_mode = #tpu.pipeline_mode<synchronous>, transform_indices = @transform_9, window_bounds = array<i64: 1, 256>}, {transform_indices = @transform_10, window_bounds = array<i64: 1, 32, 256>}]} {
    %get3A = arith.constant 0 : index
    %get3A_0 = arith.constant 0 : index
    %get3A_1 = arith.constant 0 : index
    %get3A_2 = vector.load %arg3[%get3A, %get3A_0, %get3A_1] : memref<1x512x323xf32, #tpu.memory_space<vmem>>, vector<1x512x323xf32>
    %get3A_3 = vector.shape_cast %get3A_2 : vector<1x512x323xf32> to vector<512x323xf32>
    %get3A_4 = arith.constant 0 : index
    %get3A_5 = arith.constant 0 : index
    %get3A_6 = arith.constant 0 : index
    %get3A_7 = vector.load %arg2[%get3A_4, %get3A_5, %get3A_6] : memref<1x2048x1xi32, #tpu.memory_space<vmem>>, vector<1x2048x1xi32>
    %get3A_8 = vector.shape_cast %get3A_7 : vector<1x2048x1xi32> to vector<2048x1xi32>
    %iota3A = tpu.iota {dimensions = array<i32: 1>} : vector<2048x512xi32>
    %eq3A = vector.broadcast %get3A_8 : vector<2048x1xi32> to vector<2048x512xi32>
    %eq3A_9 = arith.cmpi eq, %iota3A, %eq3A : vector<2048x512xi32>
    %convert_element_type3A = arith.extui %eq3A_9 : vector<2048x512xi1> to vector<2048x512xi32>
    %convert_element_type3A_10 = arith.sitofp %convert_element_type3A : vector<2048x512xi32> to vector<2048x512xf32>
    %dot_general3A = arith.constant dense<0.000000e+00> : vector<2048x323xf32>
    %dot_general3A_11 = tpu.matmul %convert_element_type3A_10, %get3A_3, %dot_general3A {dimension_numbers = #tpu.dot_dimension_numbers<[1], [0], [0], [1], [0, 0, 1, 1], [], []>, precision = #tpu.contract_precision<fp32>, transpose_lhs_hint = false} : vector<2048x512xf32>, vector<512x323xf32>, vector<2048x323xf32> -> vector<2048x323xf32>
    %get3A_12 = arith.constant 0 : index
    %get3A_13 = arith.constant 0 : index
    %get3A_14 = vector.load %arg6[%get3A_12, %get3A_13] : memref<323x128xf32, #tpu.memory_space<vmem>>, vector<323x128xf32>
    %dot_general3A_15 = arith.constant dense<0.000000e+00> : vector<2048x128xf32>
    %dot_general3A_16 = tpu.matmul %dot_general3A_11, %get3A_14, %dot_general3A_15 {dimension_numbers = #tpu.dot_dimension_numbers<[1], [0], [0], [1], [0, 0, 1, 1], [], []>, precision = #tpu.contract_precision<fp32>, transpose_lhs_hint = false} : vector<2048x323xf32>, vector<323x128xf32>, vector<2048x128xf32> -> vector<2048x128xf32>
    %get3A_17 = arith.constant 0 : index
    %get3A_18 = arith.constant 0 : index
    %get3A_19 = vector.load %arg7[%get3A_17, %get3A_18] : memref<1x128xf32, #tpu.memory_space<vmem>>, vector<1x128xf32>
    %add3A = vector.broadcast %get3A_19 : vector<1x128xf32> to vector<2048x128xf32>
    %add3A_20 = arith.addf %dot_general3A_16, %add3A : vector<2048x128xf32>
    %get3A_21 = arith.constant 0 : index
    %get3A_22 = arith.constant 0 : index
    %get3A_23 = arith.constant 0 : index
    %get3A_24 = vector.load %arg4[%get3A_21, %get3A_22, %get3A_23] : memref<1x32x3xf32, #tpu.memory_space<vmem>>, vector<1x32x3xf32>
    %get3A_25 = vector.shape_cast %get3A_24 : vector<1x32x3xf32> to vector<32x3xf32>
    %get3A_26 = arith.constant 0 : index
    %get3A_27 = arith.constant 0 : index
    %get3A_28 = vector.load %arg5[%get3A_26, %get3A_27] : memref<3x128xf32, #tpu.memory_space<vmem>>, vector<3x128xf32>
    %dot_general3A_29 = arith.constant dense<0.000000e+00> : vector<32x128xf32>
    %dot_general3A_30 = tpu.matmul %get3A_25, %get3A_28, %dot_general3A_29 {dimension_numbers = #tpu.dot_dimension_numbers<[1], [0], [0], [1], [0, 0, 1, 1], [], []>, precision = #tpu.contract_precision<fp32>, transpose_lhs_hint = false} : vector<32x3xf32>, vector<3x128xf32>, vector<32x128xf32> -> vector<32x128xf32>
    %reshape3A = vector.shape_cast %add3A_20 : vector<2048x128xf32> to vector<32x64x128xf32>
    %broadcast_in_dim3A = vector.shape_cast %dot_general3A_30 : vector<32x128xf32> to vector<32x1x128xf32>
    %sub3A = vector.broadcast %broadcast_in_dim3A : vector<32x1x128xf32> to vector<32x64x128xf32>
    %sub3A_31 = arith.subf %reshape3A, %sub3A : vector<32x64x128xf32>
    %max3A = arith.constant 0.000000e+00 : f32
    %max3A_32 = vector.broadcast %max3A : f32 to vector<32x64x128xf32>
    %max3A_33 = arith.maximumf %sub3A_31, %max3A_32 : vector<32x64x128xf32>
    %reshape3A_34 = vector.shape_cast %max3A_33 : vector<32x64x128xf32> to vector<2048x128xf32>
    %get3A_35 = arith.constant 0 : index
    %get3A_36 = arith.constant 0 : index
    %get3A_37 = vector.load %arg8[%get3A_35, %get3A_36] : memref<128x128xf32, #tpu.memory_space<vmem>>, vector<128x128xf32>
    %dot_general3A_38 = arith.constant dense<0.000000e+00> : vector<2048x128xf32>
    %dot_general3A_39 = tpu.matmul %reshape3A_34, %get3A_37, %dot_general3A_38 {dimension_numbers = #tpu.dot_dimension_numbers<[1], [0], [0], [1], [0, 0, 1, 1], [], []>, precision = #tpu.contract_precision<fp32>, transpose_lhs_hint = false} : vector<2048x128xf32>, vector<128x128xf32>, vector<2048x128xf32> -> vector<2048x128xf32>
    %get3A_40 = arith.constant 0 : index
    %get3A_41 = arith.constant 0 : index
    %get3A_42 = vector.load %arg9[%get3A_40, %get3A_41] : memref<1x128xf32, #tpu.memory_space<vmem>>, vector<1x128xf32>
    %add3A_43 = vector.broadcast %get3A_42 : vector<1x128xf32> to vector<2048x128xf32>
    %add3A_44 = arith.addf %dot_general3A_39, %add3A_43 : vector<2048x128xf32>
    %max3A_45 = arith.constant 0.000000e+00 : f32
    %max3A_46 = vector.broadcast %max3A_45 : f32 to vector<2048x128xf32>
    %max3A_47 = arith.maximumf %add3A_44, %max3A_46 : vector<2048x128xf32>
    %get3A_48 = arith.constant 0 : index
    %get3A_49 = arith.constant 0 : index
    %get3A_50 = vector.load %arg10[%get3A_48, %get3A_49] : memref<128x256xf32, #tpu.memory_space<vmem>>, vector<128x256xf32>
    %dot_general3A_51 = arith.constant dense<0.000000e+00> : vector<2048x256xf32>
    %dot_general3A_52 = tpu.matmul %max3A_47, %get3A_50, %dot_general3A_51 {dimension_numbers = #tpu.dot_dimension_numbers<[1], [0], [0], [1], [0, 0, 1, 1], [], []>, precision = #tpu.contract_precision<fp32>, transpose_lhs_hint = false} : vector<2048x128xf32>, vector<128x256xf32>, vector<2048x256xf32> -> vector<2048x256xf32>
    %get3A_53 = arith.constant 0 : index
    %get3A_54 = arith.constant 0 : index
    %get3A_55 = vector.load %arg11[%get3A_53, %get3A_54] : memref<1x256xf32, #tpu.memory_space<vmem>>, vector<1x256xf32>
    %add3A_56 = vector.broadcast %get3A_55 : vector<1x256xf32> to vector<2048x256xf32>
    %add3A_57 = arith.addf %dot_general3A_52, %add3A_56 : vector<2048x256xf32>
    %max3A_58 = arith.constant 0.000000e+00 : f32
    %max3A_59 = vector.broadcast %max3A_58 : f32 to vector<2048x256xf32>
    %max3A_60 = arith.maximumf %add3A_57, %max3A_59 : vector<2048x256xf32>
    %reshape3A_61 = vector.shape_cast %max3A_60 : vector<2048x256xf32> to vector<32x64x256xf32>
    %reduce_max3A = arith.constant dense<0xFF800000> : vector<32x256xf32>
    %reduce_max3A_62 = vector.multi_reduction <maximumf>, %reshape3A_61, %reduce_max3A [1] : vector<32x64x256xf32> to vector<32x256xf32>
    %swap3A = arith.constant 0 : index
    %swap3A_63 = arith.constant 0 : index
    %swap3A_64 = arith.constant 0 : index
    %swap3A_65 = vector.load %arg12[%swap3A, %swap3A_63, %swap3A_64] : memref<1x32x256xf32, #tpu.memory_space<vmem>>, vector<1x32x256xf32>
    %swap3A_66 = vector.shape_cast %swap3A_65 : vector<1x32x256xf32> to vector<32x256xf32>
    %swap3A_67 = vector.shape_cast %reduce_max3A_62 : vector<32x256xf32> to vector<1x32x256xf32>
    tpu.vector_store %arg12[%swap3A, %swap3A_63, %swap3A_64], %swap3A_67 {strides = array<i32>} : memref<1x32x256xf32, #tpu.memory_space<vmem>>, vector<1x32x256xf32>,
    return
  }
  func.func @transform_0(%arg0: i32, %arg1: i32) -> (i32, i32, i32) {
    %c0_i32 = arith.constant 0 : i32
    %c0_i32_0 = arith.constant 0 : i32
    return %arg0, %arg1, %c0_i32 : i32, i32, i32
  }
  func.func @transform_1(%arg0: i32, %arg1: i32) -> (i32, i32, i32) {
    %c0_i32 = arith.constant 0 : i32
    %c0_i32_0 = arith.constant 0 : i32
    %c0_i32_1 = arith.constant 0 : i32
    return %arg0, %c0_i32, %c0_i32_0 : i32, i32, i32
  }
  func.func @transform_2(%arg0: i32, %arg1: i32) -> (i32, i32, i32) {
    %c0_i32 = arith.constant 0 : i32
    %c0_i32_0 = arith.constant 0 : i32
    return %arg0, %arg1, %c0_i32 : i32, i32, i32
  }
  func.func @transform_3(%arg0: i32, %arg1: i32) -> (i32, i32) {
    %c0_i32 = arith.constant 0 : i32
    %c0_i32_0 = arith.constant 0 : i32
    %c0_i32_1 = arith.constant 0 : i32
    return %c0_i32, %c0_i32_0 : i32, i32
  }
  func.func @transform_4(%arg0: i32, %arg1: i32) -> (i32, i32) {
    %c0_i32 = arith.constant 0 : i32
    %c0_i32_0 = arith.constant 0 : i32
    %c0_i32_1 = arith.constant 0 : i32
    return %c0_i32, %c0_i32_0 : i32, i32
  }
  func.func @transform_5(%arg0: i32, %arg1: i32) -> (i32, i32) {
    %c0_i32 = arith.constant 0 : i32
    %c0_i32_0 = arith.constant 0 : i32
    %c0_i32_1 = arith.constant 0 : i32
    return %c0_i32, %c0_i32_0 : i32, i32
  }
  func.func @transform_6(%arg0: i32, %arg1: i32) -> (i32, i32) {
    %c0_i32 = arith.constant 0 : i32
    %c0_i32_0 = arith.constant 0 : i32
    %c0_i32_1 = arith.constant 0 : i32
    return %c0_i32, %c0_i32_0 : i32, i32
  }
  func.func @transform_7(%arg0: i32, %arg1: i32) -> (i32, i32) {
    %c0_i32 = arith.constant 0 : i32
    %c0_i32_0 = arith.constant 0 : i32
    %c0_i32_1 = arith.constant 0 : i32
    return %c0_i32, %c0_i32_0 : i32, i32
  }
  func.func @transform_8(%arg0: i32, %arg1: i32) -> (i32, i32) {
    %c0_i32 = arith.constant 0 : i32
    %c0_i32_0 = arith.constant 0 : i32
    %c0_i32_1 = arith.constant 0 : i32
    return %c0_i32, %c0_i32_0 : i32, i32
  }
  func.func @transform_9(%arg0: i32, %arg1: i32) -> (i32, i32) {
    %c0_i32 = arith.constant 0 : i32
    %c0_i32_0 = arith.constant 0 : i32
    %c0_i32_1 = arith.constant 0 : i32
    return %c0_i32, %c0_i32_0 : i32, i32
  }
  func.func @transform_10(%arg0: i32, %arg1: i32) -> (i32, i32, i32) {
    %c0_i32 = arith.constant 0 : i32
    %c0_i32_0 = arith.constant 0 : i32
    return %arg0, %arg1, %c0_i32 : i32, i32, i32
  }
}

module attributes {stable_mosaic.version = 14 : i64} {
  func.func @_sa_body(%arg0: i32, %arg1: i32, %arg2: memref<1x2048x1xi32, #tpu.memory_space<vmem>>, %arg3: memref<1x512x323xf32, #tpu.memory_space<vmem>>, %arg4: memref<1x16x3xf32, #tpu.memory_space<vmem>>, %arg5: memref<3x128xf32, #tpu.memory_space<vmem>>, %arg6: memref<323x128xf32, #tpu.memory_space<vmem>>, %arg7: memref<1x128xf32, #tpu.memory_space<vmem>>, %arg8: memref<128x196xf32, #tpu.memory_space<vmem>>, %arg9: memref<1x196xf32, #tpu.memory_space<vmem>>, %arg10: memref<196x256xf32, #tpu.memory_space<vmem>>, %arg11: memref<1x256xf32, #tpu.memory_space<vmem>>, %arg12: memref<1x16x256xf32, #tpu.memory_space<vmem>>) attributes {dimension_semantics = [#tpu.dimension_semantics<arbitrary>, #tpu.dimension_semantics<arbitrary>], iteration_bounds = array<i64: 16, 8>, scalar_prefetch = 0 : i64, scratch_operands = 0 : i64, tpu.core_type = #tpu.core_type<tc>, window_params = [{transform_indices = @transform_0, window_bounds = array<i64: 1, 2048, 1>}, {transform_indices = @transform_1, window_bounds = array<i64: 1, 512, 323>}, {transform_indices = @transform_2, window_bounds = array<i64: 1, 16, 3>}, {pipeline_mode = #tpu.pipeline_mode<synchronous>, transform_indices = @transform_3, window_bounds = array<i64: 3, 128>}, {pipeline_mode = #tpu.pipeline_mode<synchronous>, transform_indices = @transform_4, window_bounds = array<i64: 323, 128>}, {pipeline_mode = #tpu.pipeline_mode<synchronous>, transform_indices = @transform_5, window_bounds = array<i64: 1, 128>}, {pipeline_mode = #tpu.pipeline_mode<synchronous>, transform_indices = @transform_6, window_bounds = array<i64: 128, 196>}, {pipeline_mode = #tpu.pipeline_mode<synchronous>, transform_indices = @transform_7, window_bounds = array<i64: 1, 196>}, {pipeline_mode = #tpu.pipeline_mode<synchronous>, transform_indices = @transform_8, window_bounds = array<i64: 196, 256>}, {pipeline_mode = #tpu.pipeline_mode<synchronous>, transform_indices = @transform_9, window_bounds = array<i64: 1, 256>}, {transform_indices = @transform_10, window_bounds = array<i64: 1, 16, 256>}]} {
    %get3A = arith.constant 0 : index
    %get3A_0 = arith.constant 0 : index
    %get3A_1 = arith.constant 0 : index
    %get3A_2 = vector.load %arg3[%get3A, %get3A_0, %get3A_1] : memref<1x512x323xf32, #tpu.memory_space<vmem>>, vector<1x512x323xf32>
    %get3A_3 = vector.shape_cast %get3A_2 : vector<1x512x323xf32> to vector<512x323xf32>
    %get3A_4 = arith.constant 0 : index
    %get3A_5 = arith.constant 0 : index
    %get3A_6 = arith.constant 0 : index
    %get3A_7 = vector.load %arg2[%get3A_4, %get3A_5, %get3A_6] : memref<1x2048x1xi32, #tpu.memory_space<vmem>>, vector<1x2048x1xi32>
    %get3A_8 = vector.shape_cast %get3A_7 : vector<1x2048x1xi32> to vector<2048x1xi32>
    %iota3A = tpu.iota {dimensions = array<i32: 1>} : vector<2048x512xi32>
    %eq3A = vector.broadcast %get3A_8 : vector<2048x1xi32> to vector<2048x512xi32>
    %eq3A_9 = arith.cmpi eq, %iota3A, %eq3A : vector<2048x512xi32>
    %convert_element_type3A = arith.extui %eq3A_9 : vector<2048x512xi1> to vector<2048x512xi32>
    %convert_element_type3A_10 = arith.sitofp %convert_element_type3A : vector<2048x512xi32> to vector<2048x512xf32>
    %dot_general3A = arith.constant dense<0.000000e+00> : vector<2048x323xf32>
    %dot_general3A_11 = tpu.matmul %convert_element_type3A_10, %get3A_3, %dot_general3A {dimension_numbers = #tpu.dot_dimension_numbers<[1], [0], [0], [1], [0, 0, 1, 1], [], []>, precision = #tpu.contract_precision<fp32>, transpose_lhs_hint = false} : vector<2048x512xf32>, vector<512x323xf32>, vector<2048x323xf32> -> vector<2048x323xf32>
    %get3A_12 = arith.constant 0 : index
    %get3A_13 = arith.constant 0 : index
    %get3A_14 = vector.load %arg6[%get3A_12, %get3A_13] : memref<323x128xf32, #tpu.memory_space<vmem>>, vector<323x128xf32>
    %dot_general3A_15 = arith.constant dense<0.000000e+00> : vector<2048x128xf32>
    %dot_general3A_16 = tpu.matmul %dot_general3A_11, %get3A_14, %dot_general3A_15 {dimension_numbers = #tpu.dot_dimension_numbers<[1], [0], [0], [1], [0, 0, 1, 1], [], []>, precision = #tpu.contract_precision<fp32>, transpose_lhs_hint = false} : vector<2048x323xf32>, vector<323x128xf32>, vector<2048x128xf32> -> vector<2048x128xf32>
    %get3A_17 = arith.constant 0 : index
    %get3A_18 = arith.constant 0 : index
    %get3A_19 = vector.load %arg7[%get3A_17, %get3A_18] : memref<1x128xf32, #tpu.memory_space<vmem>>, vector<1x128xf32>
    %add3A = vector.broadcast %get3A_19 : vector<1x128xf32> to vector<2048x128xf32>
    %add3A_20 = arith.addf %dot_general3A_16, %add3A : vector<2048x128xf32>
    %get3A_21 = arith.constant 0 : index
    %get3A_22 = arith.constant 0 : index
    %get3A_23 = arith.constant 0 : index
    %get3A_24 = vector.load %arg4[%get3A_21, %get3A_22, %get3A_23] : memref<1x16x3xf32, #tpu.memory_space<vmem>>, vector<1x16x3xf32>
    %get3A_25 = vector.shape_cast %get3A_24 : vector<1x16x3xf32> to vector<16x3xf32>
    %get3A_26 = arith.constant 0 : index
    %get3A_27 = arith.constant 0 : index
    %get3A_28 = vector.load %arg5[%get3A_26, %get3A_27] : memref<3x128xf32, #tpu.memory_space<vmem>>, vector<3x128xf32>
    %dot_general3A_29 = arith.constant dense<0.000000e+00> : vector<16x128xf32>
    %dot_general3A_30 = tpu.matmul %get3A_25, %get3A_28, %dot_general3A_29 {dimension_numbers = #tpu.dot_dimension_numbers<[1], [0], [0], [1], [0, 0, 1, 1], [], []>, precision = #tpu.contract_precision<fp32>, transpose_lhs_hint = false} : vector<16x3xf32>, vector<3x128xf32>, vector<16x128xf32> -> vector<16x128xf32>
    %reshape3A = vector.shape_cast %add3A_20 : vector<2048x128xf32> to vector<16x128x128xf32>
    %broadcast_in_dim3A = vector.shape_cast %dot_general3A_30 : vector<16x128xf32> to vector<16x1x128xf32>
    %sub3A = vector.broadcast %broadcast_in_dim3A : vector<16x1x128xf32> to vector<16x128x128xf32>
    %sub3A_31 = arith.subf %reshape3A, %sub3A : vector<16x128x128xf32>
    %max3A = arith.constant 0.000000e+00 : f32
    %max3A_32 = vector.broadcast %max3A : f32 to vector<16x128x128xf32>
    %max3A_33 = arith.maximumf %sub3A_31, %max3A_32 : vector<16x128x128xf32>
    %reshape3A_34 = vector.shape_cast %max3A_33 : vector<16x128x128xf32> to vector<2048x128xf32>
    %get3A_35 = arith.constant 0 : index
    %get3A_36 = arith.constant 0 : index
    %get3A_37 = vector.load %arg8[%get3A_35, %get3A_36] : memref<128x196xf32, #tpu.memory_space<vmem>>, vector<128x196xf32>
    %dot_general3A_38 = arith.constant dense<0.000000e+00> : vector<2048x196xf32>
    %dot_general3A_39 = tpu.matmul %reshape3A_34, %get3A_37, %dot_general3A_38 {dimension_numbers = #tpu.dot_dimension_numbers<[1], [0], [0], [1], [0, 0, 1, 1], [], []>, precision = #tpu.contract_precision<fp32>, transpose_lhs_hint = false} : vector<2048x128xf32>, vector<128x196xf32>, vector<2048x196xf32> -> vector<2048x196xf32>
    %get3A_40 = arith.constant 0 : index
    %get3A_41 = arith.constant 0 : index
    %get3A_42 = vector.load %arg9[%get3A_40, %get3A_41] : memref<1x196xf32, #tpu.memory_space<vmem>>, vector<1x196xf32>
    %add3A_43 = vector.broadcast %get3A_42 : vector<1x196xf32> to vector<2048x196xf32>
    %add3A_44 = arith.addf %dot_general3A_39, %add3A_43 : vector<2048x196xf32>
    %max3A_45 = arith.constant 0.000000e+00 : f32
    %max3A_46 = vector.broadcast %max3A_45 : f32 to vector<2048x196xf32>
    %max3A_47 = arith.maximumf %add3A_44, %max3A_46 : vector<2048x196xf32>
    %get3A_48 = arith.constant 0 : index
    %get3A_49 = arith.constant 0 : index
    %get3A_50 = vector.load %arg10[%get3A_48, %get3A_49] : memref<196x256xf32, #tpu.memory_space<vmem>>, vector<196x256xf32>
    %dot_general3A_51 = arith.constant dense<0.000000e+00> : vector<2048x256xf32>
    %dot_general3A_52 = tpu.matmul %max3A_47, %get3A_50, %dot_general3A_51 {dimension_numbers = #tpu.dot_dimension_numbers<[1], [0], [0], [1], [0, 0, 1, 1], [], []>, precision = #tpu.contract_precision<fp32>, transpose_lhs_hint = false} : vector<2048x196xf32>, vector<196x256xf32>, vector<2048x256xf32> -> vector<2048x256xf32>
    %get3A_53 = arith.constant 0 : index
    %get3A_54 = arith.constant 0 : index
    %get3A_55 = vector.load %arg11[%get3A_53, %get3A_54] : memref<1x256xf32, #tpu.memory_space<vmem>>, vector<1x256xf32>
    %add3A_56 = vector.broadcast %get3A_55 : vector<1x256xf32> to vector<2048x256xf32>
    %add3A_57 = arith.addf %dot_general3A_52, %add3A_56 : vector<2048x256xf32>
    %max3A_58 = arith.constant 0.000000e+00 : f32
    %max3A_59 = vector.broadcast %max3A_58 : f32 to vector<2048x256xf32>
    %max3A_60 = arith.maximumf %add3A_57, %max3A_59 : vector<2048x256xf32>
    %reshape3A_61 = vector.shape_cast %max3A_60 : vector<2048x256xf32> to vector<16x128x256xf32>
    %reduce_max3A = arith.constant dense<0xFF800000> : vector<16x256xf32>
    %reduce_max3A_62 = vector.multi_reduction <maximumf>, %reshape3A_61, %reduce_max3A [1] : vector<16x128x256xf32> to vector<16x256xf32>
    %swap3A = arith.constant 0 : index
    %swap3A_63 = arith.constant 0 : index
    %swap3A_64 = arith.constant 0 : index
    %swap3A_65 = vector.load %arg12[%swap3A, %swap3A_63, %swap3A_64] : memref<1x16x256xf32, #tpu.memory_space<vmem>>, vector<1x16x256xf32>
    %swap3A_66 = vector.shape_cast %swap3A_65 : vector<1x16x256xf32> to vector<16x256xf32>
    %swap3A_67 = vector.shape_cast %reduce_max3A_62 : vector<16x256xf32> to vector<1x16x256xf32>
    tpu.vector_store %arg12[%swap3A, %swap3A_63, %swap3A_64], %swap3A_67 {strides = array<i32>} : memref<1x16x256xf32, #tpu.memory_space<vmem>>, vector<1x16x256xf32>,
    return
  }
  func.func @transform_0(%arg0: i32, %arg1: i32) -> (i32, i32, i32) {
    %c0_i32 = arith.constant 0 : i32
    %c0_i32_0 = arith.constant 0 : i32
    return %arg0, %arg1, %c0_i32 : i32, i32, i32
  }
  func.func @transform_1(%arg0: i32, %arg1: i32) -> (i32, i32, i32) {
    %c0_i32 = arith.constant 0 : i32
    %c0_i32_0 = arith.constant 0 : i32
    %c0_i32_1 = arith.constant 0 : i32
    return %arg0, %c0_i32, %c0_i32_0 : i32, i32, i32
  }
  func.func @transform_2(%arg0: i32, %arg1: i32) -> (i32, i32, i32) {
    %c0_i32 = arith.constant 0 : i32
    %c0_i32_0 = arith.constant 0 : i32
    return %arg0, %arg1, %c0_i32 : i32, i32, i32
  }
  func.func @transform_3(%arg0: i32, %arg1: i32) -> (i32, i32) {
    %c0_i32 = arith.constant 0 : i32
    %c0_i32_0 = arith.constant 0 : i32
    %c0_i32_1 = arith.constant 0 : i32
    return %c0_i32, %c0_i32_0 : i32, i32
  }
  func.func @transform_4(%arg0: i32, %arg1: i32) -> (i32, i32) {
    %c0_i32 = arith.constant 0 : i32
    %c0_i32_0 = arith.constant 0 : i32
    %c0_i32_1 = arith.constant 0 : i32
    return %c0_i32, %c0_i32_0 : i32, i32
  }
  func.func @transform_5(%arg0: i32, %arg1: i32) -> (i32, i32) {
    %c0_i32 = arith.constant 0 : i32
    %c0_i32_0 = arith.constant 0 : i32
    %c0_i32_1 = arith.constant 0 : i32
    return %c0_i32, %c0_i32_0 : i32, i32
  }
  func.func @transform_6(%arg0: i32, %arg1: i32) -> (i32, i32) {
    %c0_i32 = arith.constant 0 : i32
    %c0_i32_0 = arith.constant 0 : i32
    %c0_i32_1 = arith.constant 0 : i32
    return %c0_i32, %c0_i32_0 : i32, i32
  }
  func.func @transform_7(%arg0: i32, %arg1: i32) -> (i32, i32) {
    %c0_i32 = arith.constant 0 : i32
    %c0_i32_0 = arith.constant 0 : i32
    %c0_i32_1 = arith.constant 0 : i32
    return %c0_i32, %c0_i32_0 : i32, i32
  }
  func.func @transform_8(%arg0: i32, %arg1: i32) -> (i32, i32) {
    %c0_i32 = arith.constant 0 : i32
    %c0_i32_0 = arith.constant 0 : i32
    %c0_i32_1 = arith.constant 0 : i32
    return %c0_i32, %c0_i32_0 : i32, i32
  }
  func.func @transform_9(%arg0: i32, %arg1: i32) -> (i32, i32) {
    %c0_i32 = arith.constant 0 : i32
    %c0_i32_0 = arith.constant 0 : i32
    %c0_i32_1 = arith.constant 0 : i32
    return %c0_i32, %c0_i32_0 : i32, i32
  }
  func.func @transform_10(%arg0: i32, %arg1: i32) -> (i32, i32, i32) {
    %c0_i32 = arith.constant 0 : i32
    %c0_i32_0 = arith.constant 0 : i32
    return %arg0, %arg1, %c0_i32 : i32, i32, i32
  }
}

module attributes {stable_mosaic.version = 14 : i64} {
  func.func @_mlp_body(%arg0: i32, %arg1: i32, %arg2: memref<1x128x515xf32, #tpu.memory_space<vmem>>, %arg3: memref<515x256xf32, #tpu.memory_space<vmem>>, %arg4: memref<1x256xf32, #tpu.memory_space<vmem>>, %arg5: memref<256x512xf32, #tpu.memory_space<vmem>>, %arg6: memref<1x512xf32, #tpu.memory_space<vmem>>, %arg7: memref<512x1024xf32, #tpu.memory_space<vmem>>, %arg8: memref<1x1024xf32, #tpu.memory_space<vmem>>, %arg9: memref<1x128x1024xf32, #tpu.memory_space<vmem>>) attributes {dimension_semantics = [#tpu.dimension_semantics<arbitrary>, #tpu.dimension_semantics<arbitrary>], iteration_bounds = array<i64: 16, 1>, scalar_prefetch = 0 : i64, scratch_operands = 0 : i64, tpu.core_type = #tpu.core_type<tc>, window_params = [{transform_indices = @transform_0, window_bounds = array<i64: 1, 128, 515>}, {pipeline_mode = #tpu.pipeline_mode<synchronous>, transform_indices = @transform_1, window_bounds = array<i64: 515, 256>}, {pipeline_mode = #tpu.pipeline_mode<synchronous>, transform_indices = @transform_2, window_bounds = array<i64: 1, 256>}, {pipeline_mode = #tpu.pipeline_mode<synchronous>, transform_indices = @transform_3, window_bounds = array<i64: 256, 512>}, {pipeline_mode = #tpu.pipeline_mode<synchronous>, transform_indices = @transform_4, window_bounds = array<i64: 1, 512>}, {pipeline_mode = #tpu.pipeline_mode<synchronous>, transform_indices = @transform_5, window_bounds = array<i64: 512, 1024>}, {pipeline_mode = #tpu.pipeline_mode<synchronous>, transform_indices = @transform_6, window_bounds = array<i64: 1, 1024>}, {transform_indices = @transform_7, window_bounds = array<i64: 1, 128, 1024>}]} {
    %get3A = arith.constant 0 : index
    %get3A_0 = arith.constant 0 : index
    %get3A_1 = arith.constant 0 : index
    %get3A_2 = vector.load %arg2[%get3A, %get3A_0, %get3A_1] : memref<1x128x515xf32, #tpu.memory_space<vmem>>, vector<1x128x515xf32>
    %get3A_3 = vector.shape_cast %get3A_2 : vector<1x128x515xf32> to vector<128x515xf32>
    %get3A_4 = arith.constant 0 : index
    %get3A_5 = arith.constant 0 : index
    %get3A_6 = vector.load %arg3[%get3A_4, %get3A_5] : memref<515x256xf32, #tpu.memory_space<vmem>>, vector<515x256xf32>
    %dot_general3A = arith.constant dense<0.000000e+00> : vector<128x256xf32>
    %dot_general3A_7 = tpu.matmul %get3A_3, %get3A_6, %dot_general3A {dimension_numbers = #tpu.dot_dimension_numbers<[1], [0], [0], [1], [0, 0, 1, 1], [], []>, precision = #tpu.contract_precision<fp32>, transpose_lhs_hint = false} : vector<128x515xf32>, vector<515x256xf32>, vector<128x256xf32> -> vector<128x256xf32>
    %get3A_8 = arith.constant 0 : index
    %get3A_9 = arith.constant 0 : index
    %get3A_10 = vector.load %arg4[%get3A_8, %get3A_9] : memref<1x256xf32, #tpu.memory_space<vmem>>, vector<1x256xf32>
    %add3A = vector.broadcast %get3A_10 : vector<1x256xf32> to vector<128x256xf32>
    %add3A_11 = arith.addf %dot_general3A_7, %add3A : vector<128x256xf32>
    %max3A = arith.constant 0.000000e+00 : f32
    %max3A_12 = vector.broadcast %max3A : f32 to vector<128x256xf32>
    %max3A_13 = arith.maximumf %add3A_11, %max3A_12 : vector<128x256xf32>
    %get3A_14 = arith.constant 0 : index
    %get3A_15 = arith.constant 0 : index
    %get3A_16 = vector.load %arg5[%get3A_14, %get3A_15] : memref<256x512xf32, #tpu.memory_space<vmem>>, vector<256x512xf32>
    %dot_general3A_17 = arith.constant dense<0.000000e+00> : vector<128x512xf32>
    %dot_general3A_18 = tpu.matmul %max3A_13, %get3A_16, %dot_general3A_17 {dimension_numbers = #tpu.dot_dimension_numbers<[1], [0], [0], [1], [0, 0, 1, 1], [], []>, precision = #tpu.contract_precision<fp32>, transpose_lhs_hint = false} : vector<128x256xf32>, vector<256x512xf32>, vector<128x512xf32> -> vector<128x512xf32>
    %get3A_19 = arith.constant 0 : index
    %get3A_20 = arith.constant 0 : index
    %get3A_21 = vector.load %arg6[%get3A_19, %get3A_20] : memref<1x512xf32, #tpu.memory_space<vmem>>, vector<1x512xf32>
    %add3A_22 = vector.broadcast %get3A_21 : vector<1x512xf32> to vector<128x512xf32>
    %add3A_23 = arith.addf %dot_general3A_18, %add3A_22 : vector<128x512xf32>
    %max3A_24 = arith.constant 0.000000e+00 : f32
    %max3A_25 = vector.broadcast %max3A_24 : f32 to vector<128x512xf32>
    %max3A_26 = arith.maximumf %add3A_23, %max3A_25 : vector<128x512xf32>
    %get3A_27 = arith.constant 0 : index
    %get3A_28 = arith.constant 0 : index
    %get3A_29 = vector.load %arg7[%get3A_27, %get3A_28] : memref<512x1024xf32, #tpu.memory_space<vmem>>, vector<512x1024xf32>
    %dot_general3A_30 = arith.constant dense<0.000000e+00> : vector<128x1024xf32>
    %dot_general3A_31 = tpu.matmul %max3A_26, %get3A_29, %dot_general3A_30 {dimension_numbers = #tpu.dot_dimension_numbers<[1], [0], [0], [1], [0, 0, 1, 1], [], []>, precision = #tpu.contract_precision<fp32>, transpose_lhs_hint = false} : vector<128x512xf32>, vector<512x1024xf32>, vector<128x1024xf32> -> vector<128x1024xf32>
    %get3A_32 = arith.constant 0 : index
    %get3A_33 = arith.constant 0 : index
    %get3A_34 = vector.load %arg8[%get3A_32, %get3A_33] : memref<1x1024xf32, #tpu.memory_space<vmem>>, vector<1x1024xf32>
    %add3A_35 = vector.broadcast %get3A_34 : vector<1x1024xf32> to vector<128x1024xf32>
    %add3A_36 = arith.addf %dot_general3A_31, %add3A_35 : vector<128x1024xf32>
    %max3A_37 = arith.constant 0.000000e+00 : f32
    %max3A_38 = vector.broadcast %max3A_37 : f32 to vector<128x1024xf32>
    %max3A_39 = arith.maximumf %add3A_36, %max3A_38 : vector<128x1024xf32>
    %swap3A = arith.constant 0 : index
    %swap3A_40 = arith.constant 0 : index
    %swap3A_41 = arith.constant 0 : index
    %swap3A_42 = vector.load %arg9[%swap3A, %swap3A_40, %swap3A_41] : memref<1x128x1024xf32, #tpu.memory_space<vmem>>, vector<1x128x1024xf32>
    %swap3A_43 = vector.shape_cast %swap3A_42 : vector<1x128x1024xf32> to vector<128x1024xf32>
    %swap3A_44 = vector.shape_cast %max3A_39 : vector<128x1024xf32> to vector<1x128x1024xf32>
    tpu.vector_store %arg9[%swap3A, %swap3A_40, %swap3A_41], %swap3A_44 {strides = array<i32>} : memref<1x128x1024xf32, #tpu.memory_space<vmem>>, vector<1x128x1024xf32>,
    return
  }
  func.func @transform_0(%arg0: i32, %arg1: i32) -> (i32, i32, i32) {
    %c0_i32 = arith.constant 0 : i32
    %c0_i32_0 = arith.constant 0 : i32
    return %arg0, %arg1, %c0_i32 : i32, i32, i32
  }
  func.func @transform_1(%arg0: i32, %arg1: i32) -> (i32, i32) {
    %c0_i32 = arith.constant 0 : i32
    %c0_i32_0 = arith.constant 0 : i32
    %c0_i32_1 = arith.constant 0 : i32
    return %c0_i32, %c0_i32_0 : i32, i32
  }
  func.func @transform_2(%arg0: i32, %arg1: i32) -> (i32, i32) {
    %c0_i32 = arith.constant 0 : i32
    %c0_i32_0 = arith.constant 0 : i32
    %c0_i32_1 = arith.constant 0 : i32
    return %c0_i32, %c0_i32_0 : i32, i32
  }
  func.func @transform_3(%arg0: i32, %arg1: i32) -> (i32, i32) {
    %c0_i32 = arith.constant 0 : i32
    %c0_i32_0 = arith.constant 0 : i32
    %c0_i32_1 = arith.constant 0 : i32
    return %c0_i32, %c0_i32_0 : i32, i32
  }
  func.func @transform_4(%arg0: i32, %arg1: i32) -> (i32, i32) {
    %c0_i32 = arith.constant 0 : i32
    %c0_i32_0 = arith.constant 0 : i32
    %c0_i32_1 = arith.constant 0 : i32
    return %c0_i32, %c0_i32_0 : i32, i32
  }
  func.func @transform_5(%arg0: i32, %arg1: i32) -> (i32, i32) {
    %c0_i32 = arith.constant 0 : i32
    %c0_i32_0 = arith.constant 0 : i32
    %c0_i32_1 = arith.constant 0 : i32
    return %c0_i32, %c0_i32_0 : i32, i32
  }
  func.func @transform_6(%arg0: i32, %arg1: i32) -> (i32, i32) {
    %c0_i32 = arith.constant 0 : i32
    %c0_i32_0 = arith.constant 0 : i32
    %c0_i32_1 = arith.constant 0 : i32
    return %c0_i32, %c0_i32_0 : i32, i32
  }
  func.func @transform_7(%arg0: i32, %arg1: i32) -> (i32, i32, i32) {
    %c0_i32 = arith.constant 0 : i32
    %c0_i32_0 = arith.constant 0 : i32
    return %arg0, %arg1, %c0_i32 : i32, i32, i32
  }
}

module attributes {stable_mosaic.version = 14 : i64} {
  func.func @_mlp_body(%arg0: i32, %arg1: i32, %arg2: memref<1x128x1536xf32, #tpu.memory_space<vmem>>, %arg3: memref<1536x256xf32, #tpu.memory_space<vmem>>, %arg4: memref<1x256xf32, #tpu.memory_space<vmem>>, %arg5: memref<256x256xf32, #tpu.memory_space<vmem>>, %arg6: memref<1x256xf32, #tpu.memory_space<vmem>>, %arg7: memref<1x128x256xf32, #tpu.memory_space<vmem>>) attributes {dimension_semantics = [#tpu.dimension_semantics<arbitrary>, #tpu.dimension_semantics<arbitrary>], iteration_bounds = array<i64: 16, 1>, scalar_prefetch = 0 : i64, scratch_operands = 0 : i64, tpu.core_type = #tpu.core_type<tc>, window_params = [{transform_indices = @transform_0, window_bounds = array<i64: 1, 128, 1536>}, {pipeline_mode = #tpu.pipeline_mode<synchronous>, transform_indices = @transform_1, window_bounds = array<i64: 1536, 256>}, {pipeline_mode = #tpu.pipeline_mode<synchronous>, transform_indices = @transform_2, window_bounds = array<i64: 1, 256>}, {pipeline_mode = #tpu.pipeline_mode<synchronous>, transform_indices = @transform_3, window_bounds = array<i64: 256, 256>}, {pipeline_mode = #tpu.pipeline_mode<synchronous>, transform_indices = @transform_4, window_bounds = array<i64: 1, 256>}, {transform_indices = @transform_5, window_bounds = array<i64: 1, 128, 256>}]} {
    %get3A = arith.constant 0 : index
    %get3A_0 = arith.constant 0 : index
    %get3A_1 = arith.constant 0 : index
    %get3A_2 = vector.load %arg2[%get3A, %get3A_0, %get3A_1] : memref<1x128x1536xf32, #tpu.memory_space<vmem>>, vector<1x128x1536xf32>
    %get3A_3 = vector.shape_cast %get3A_2 : vector<1x128x1536xf32> to vector<128x1536xf32>
    %get3A_4 = arith.constant 0 : index
    %get3A_5 = arith.constant 0 : index
    %get3A_6 = vector.load %arg3[%get3A_4, %get3A_5] : memref<1536x256xf32, #tpu.memory_space<vmem>>, vector<1536x256xf32>
    %dot_general3A = arith.constant dense<0.000000e+00> : vector<128x256xf32>
    %dot_general3A_7 = tpu.matmul %get3A_3, %get3A_6, %dot_general3A {dimension_numbers = #tpu.dot_dimension_numbers<[1], [0], [0], [1], [0, 0, 1, 1], [], []>, precision = #tpu.contract_precision<fp32>, transpose_lhs_hint = false} : vector<128x1536xf32>, vector<1536x256xf32>, vector<128x256xf32> -> vector<128x256xf32>
    %get3A_8 = arith.constant 0 : index
    %get3A_9 = arith.constant 0 : index
    %get3A_10 = vector.load %arg4[%get3A_8, %get3A_9] : memref<1x256xf32, #tpu.memory_space<vmem>>, vector<1x256xf32>
    %add3A = vector.broadcast %get3A_10 : vector<1x256xf32> to vector<128x256xf32>
    %add3A_11 = arith.addf %dot_general3A_7, %add3A : vector<128x256xf32>
    %max3A = arith.constant 0.000000e+00 : f32
    %max3A_12 = vector.broadcast %max3A : f32 to vector<128x256xf32>
    %max3A_13 = arith.maximumf %add3A_11, %max3A_12 : vector<128x256xf32>
    %get3A_14 = arith.constant 0 : index
    %get3A_15 = arith.constant 0 : index
    %get3A_16 = vector.load %arg5[%get3A_14, %get3A_15] : memref<256x256xf32, #tpu.memory_space<vmem>>, vector<256x256xf32>
    %dot_general3A_17 = arith.constant dense<0.000000e+00> : vector<128x256xf32>
    %dot_general3A_18 = tpu.matmul %max3A_13, %get3A_16, %dot_general3A_17 {dimension_numbers = #tpu.dot_dimension_numbers<[1], [0], [0], [1], [0, 0, 1, 1], [], []>, precision = #tpu.contract_precision<fp32>, transpose_lhs_hint = false} : vector<128x256xf32>, vector<256x256xf32>, vector<128x256xf32> -> vector<128x256xf32>
    %get3A_19 = arith.constant 0 : index
    %get3A_20 = arith.constant 0 : index
    %get3A_21 = vector.load %arg6[%get3A_19, %get3A_20] : memref<1x256xf32, #tpu.memory_space<vmem>>, vector<1x256xf32>
    %add3A_22 = vector.broadcast %get3A_21 : vector<1x256xf32> to vector<128x256xf32>
    %add3A_23 = arith.addf %dot_general3A_18, %add3A_22 : vector<128x256xf32>
    %max3A_24 = arith.constant 0.000000e+00 : f32
    %max3A_25 = vector.broadcast %max3A_24 : f32 to vector<128x256xf32>
    %max3A_26 = arith.maximumf %add3A_23, %max3A_25 : vector<128x256xf32>
    %swap3A = arith.constant 0 : index
    %swap3A_27 = arith.constant 0 : index
    %swap3A_28 = arith.constant 0 : index
    %swap3A_29 = vector.load %arg7[%swap3A, %swap3A_27, %swap3A_28] : memref<1x128x256xf32, #tpu.memory_space<vmem>>, vector<1x128x256xf32>
    %swap3A_30 = vector.shape_cast %swap3A_29 : vector<1x128x256xf32> to vector<128x256xf32>
    %swap3A_31 = vector.shape_cast %max3A_26 : vector<128x256xf32> to vector<1x128x256xf32>
    tpu.vector_store %arg7[%swap3A, %swap3A_27, %swap3A_28], %swap3A_31 {strides = array<i32>} : memref<1x128x256xf32, #tpu.memory_space<vmem>>, vector<1x128x256xf32>,
    return
  }
  func.func @transform_0(%arg0: i32, %arg1: i32) -> (i32, i32, i32) {
    %c0_i32 = arith.constant 0 : i32
    %c0_i32_0 = arith.constant 0 : i32
    return %arg0, %arg1, %c0_i32 : i32, i32, i32
  }
  func.func @transform_1(%arg0: i32, %arg1: i32) -> (i32, i32) {
    %c0_i32 = arith.constant 0 : i32
    %c0_i32_0 = arith.constant 0 : i32
    %c0_i32_1 = arith.constant 0 : i32
    return %c0_i32, %c0_i32_0 : i32, i32
  }
  func.func @transform_2(%arg0: i32, %arg1: i32) -> (i32, i32) {
    %c0_i32 = arith.constant 0 : i32
    %c0_i32_0 = arith.constant 0 : i32
    %c0_i32_1 = arith.constant 0 : i32
    return %c0_i32, %c0_i32_0 : i32, i32
  }
  func.func @transform_3(%arg0: i32, %arg1: i32) -> (i32, i32) {
    %c0_i32 = arith.constant 0 : i32
    %c0_i32_0 = arith.constant 0 : i32
    %c0_i32_1 = arith.constant 0 : i32
    return %c0_i32, %c0_i32_0 : i32, i32
  }
  func.func @transform_4(%arg0: i32, %arg1: i32) -> (i32, i32) {
    %c0_i32 = arith.constant 0 : i32
    %c0_i32_0 = arith.constant 0 : i32
    %c0_i32_1 = arith.constant 0 : i32
    return %c0_i32, %c0_i32_0 : i32, i32
  }
  func.func @transform_5(%arg0: i32, %arg1: i32) -> (i32, i32, i32) {
    %c0_i32 = arith.constant 0 : i32
    %c0_i32_0 = arith.constant 0 : i32
    return %arg0, %arg1, %c0_i32 : i32, i32, i32
  }
}

module attributes {stable_mosaic.version = 14 : i64} {
  func.func @_fp_body(%arg0: i32, %arg1: i32, %arg2: memref<1x512x3xf32, #tpu.memory_space<vmem>>, %arg3: memref<1x3x128xf32, #tpu.memory_space<vmem>>, %arg4: memref<1x128x256xf32, #tpu.memory_space<vmem>>, %arg5: memref<1x512x320xf32, #tpu.memory_space<vmem>>, %arg6: memref<320x256xf32, #tpu.memory_space<vmem>>, %arg7: memref<256x256xf32, #tpu.memory_space<vmem>>, %arg8: memref<1x256xf32, #tpu.memory_space<vmem>>, %arg9: memref<256x128xf32, #tpu.memory_space<vmem>>, %arg10: memref<1x128xf32, #tpu.memory_space<vmem>>, %arg11: memref<1x512x128xf32, #tpu.memory_space<vmem>>) attributes {dimension_semantics = [#tpu.dimension_semantics<arbitrary>, #tpu.dimension_semantics<arbitrary>], iteration_bounds = array<i64: 16, 1>, scalar_prefetch = 0 : i64, scratch_operands = 0 : i64, tpu.core_type = #tpu.core_type<tc>, window_params = [{transform_indices = @transform_0, window_bounds = array<i64: 1, 512, 3>}, {transform_indices = @transform_1, window_bounds = array<i64: 1, 3, 128>}, {transform_indices = @transform_2, window_bounds = array<i64: 1, 128, 256>}, {transform_indices = @transform_3, window_bounds = array<i64: 1, 512, 320>}, {pipeline_mode = #tpu.pipeline_mode<synchronous>, transform_indices = @transform_4, window_bounds = array<i64: 320, 256>}, {pipeline_mode = #tpu.pipeline_mode<synchronous>, transform_indices = @transform_5, window_bounds = array<i64: 256, 256>}, {pipeline_mode = #tpu.pipeline_mode<synchronous>, transform_indices = @transform_6, window_bounds = array<i64: 1, 256>}, {pipeline_mode = #tpu.pipeline_mode<synchronous>, transform_indices = @transform_7, window_bounds = array<i64: 256, 128>}, {pipeline_mode = #tpu.pipeline_mode<synchronous>, transform_indices = @transform_8, window_bounds = array<i64: 1, 128>}, {transform_indices = @transform_9, window_bounds = array<i64: 1, 512, 128>}]} {
    %get3A = arith.constant 0 : index
    %get3A_0 = arith.constant 0 : index
    %get3A_1 = arith.constant 0 : index
    %get3A_2 = vector.load %arg2[%get3A, %get3A_0, %get3A_1] : memref<1x512x3xf32, #tpu.memory_space<vmem>>, vector<1x512x3xf32>
    %get3A_3 = vector.shape_cast %get3A_2 : vector<1x512x3xf32> to vector<512x3xf32>
    %get3A_4 = arith.constant 0 : index
    %get3A_5 = arith.constant 0 : index
    %get3A_6 = arith.constant 0 : index
    %get3A_7 = vector.load %arg3[%get3A_4, %get3A_5, %get3A_6] : memref<1x3x128xf32, #tpu.memory_space<vmem>>, vector<1x3x128xf32>
    %get3A_8 = vector.shape_cast %get3A_7 : vector<1x3x128xf32> to vector<3x128xf32>
    %slice3A = vector.extract_strided_slice %get3A_3 {offsets = [0, 0], sizes = [512, 1], strides = [1, 1]} : vector<512x3xf32> to vector<512x1xf32>
    %slice3A_9 = vector.extract_strided_slice %get3A_3 {offsets = [0, 0], sizes = [512, 1], strides = [1, 1]} : vector<512x3xf32> to vector<512x1xf32>
    %mul3A = arith.mulf %slice3A, %slice3A_9 : vector<512x1xf32>
    %slice3A_10 = vector.extract_strided_slice %get3A_3 {offsets = [0, 1], sizes = [512, 1], strides = [1, 1]} : vector<512x3xf32> to vector<512x1xf32>
    %slice3A_11 = vector.extract_strided_slice %get3A_3 {offsets = [0, 1], sizes = [512, 1], strides = [1, 1]} : vector<512x3xf32> to vector<512x1xf32>
    %mul3A_12 = arith.mulf %slice3A_10, %slice3A_11 : vector<512x1xf32>
    %add3A = arith.addf %mul3A, %mul3A_12 : vector<512x1xf32>
    %slice3A_13 = vector.extract_strided_slice %get3A_3 {offsets = [0, 2], sizes = [512, 1], strides = [1, 1]} : vector<512x3xf32> to vector<512x1xf32>
    %slice3A_14 = vector.extract_strided_slice %get3A_3 {offsets = [0, 2], sizes = [512, 1], strides = [1, 1]} : vector<512x3xf32> to vector<512x1xf32>
    %mul3A_15 = arith.mulf %slice3A_13, %slice3A_14 : vector<512x1xf32>
    %add3A_16 = arith.addf %add3A, %mul3A_15 : vector<512x1xf32>
    %slice3A_17 = vector.extract_strided_slice %get3A_8 {offsets = [0, 0], sizes = [1, 128], strides = [1, 1]} : vector<3x128xf32> to vector<1x128xf32>
    %slice3A_18 = vector.extract_strided_slice %get3A_8 {offsets = [0, 0], sizes = [1, 128], strides = [1, 1]} : vector<3x128xf32> to vector<1x128xf32>
    %mul3A_19 = arith.mulf %slice3A_17, %slice3A_18 : vector<1x128xf32>
    %slice3A_20 = vector.extract_strided_slice %get3A_8 {offsets = [1, 0], sizes = [1, 128], strides = [1, 1]} : vector<3x128xf32> to vector<1x128xf32>
    %slice3A_21 = vector.extract_strided_slice %get3A_8 {offsets = [1, 0], sizes = [1, 128], strides = [1, 1]} : vector<3x128xf32> to vector<1x128xf32>
    %mul3A_22 = arith.mulf %slice3A_20, %slice3A_21 : vector<1x128xf32>
    %add3A_23 = arith.addf %mul3A_19, %mul3A_22 : vector<1x128xf32>
    %slice3A_24 = vector.extract_strided_slice %get3A_8 {offsets = [2, 0], sizes = [1, 128], strides = [1, 1]} : vector<3x128xf32> to vector<1x128xf32>
    %slice3A_25 = vector.extract_strided_slice %get3A_8 {offsets = [2, 0], sizes = [1, 128], strides = [1, 1]} : vector<3x128xf32> to vector<1x128xf32>
    %mul3A_26 = arith.mulf %slice3A_24, %slice3A_25 : vector<1x128xf32>
    %add3A_27 = arith.addf %add3A_23, %mul3A_26 : vector<1x128xf32>
    %convert_element_type3A = arith.truncf %get3A_3 : vector<512x3xf32> to vector<512x3xbf16>
    %convert_element_type3A_28 = arith.truncf %get3A_8 : vector<3x128xf32> to vector<3x128xbf16>
    %dot_general3A = arith.constant dense<0.000000e+00> : vector<512x128xf32>
    %dot_general3A_29 = tpu.matmul %convert_element_type3A, %convert_element_type3A_28, %dot_general3A {dimension_numbers = #tpu.dot_dimension_numbers<[1], [0], [0], [1], [0, 0, 1, 1], [], []>, transpose_lhs_hint = false} : vector<512x3xbf16>, vector<3x128xbf16>, vector<512x128xf32> -> vector<512x128xf32>
    %mul3A_30 = arith.constant 2.000000e+00 : f32
    %mul3A_31 = vector.broadcast %mul3A_30 : f32 to vector<512x128xf32>
    %mul3A_32 = arith.mulf %mul3A_31, %dot_general3A_29 : vector<512x128xf32>
    %sub3A = vector.broadcast %add3A_16 : vector<512x1xf32> to vector<512x128xf32>
    %sub3A_33 = arith.subf %sub3A, %mul3A_32 : vector<512x128xf32>
    %add3A_34 = vector.broadcast %add3A_27 : vector<1x128xf32> to vector<512x128xf32>
    %add3A_35 = arith.addf %sub3A_33, %add3A_34 : vector<512x128xf32>
    %iota3A = tpu.iota {dimensions = array<i32: 1>} : vector<512x128xi32>
    %broadcast_in_dim3A = arith.constant 0.000000e+00 : f32
    %broadcast_in_dim3A_36 = vector.broadcast %broadcast_in_dim3A : f32 to vector<512x128xf32>
    %broadcast_in_dim3A_37 = arith.constant 0.000000e+00 : f32
    %broadcast_in_dim3A_38 = vector.broadcast %broadcast_in_dim3A_37 : f32 to vector<512x1xf32>
    %reduce_min3A = arith.constant dense<0x7F800000> : vector<512xf32>
    %reduce_min3A_39 = vector.multi_reduction <minimumf>, %add3A_35, %reduce_min3A [1] : vector<512x128xf32> to vector<512xf32>
    %broadcast_in_dim3A_40 = vector.shape_cast %reduce_min3A_39 : vector<512xf32> to vector<512x1xf32>
    %eq3A = vector.broadcast %broadcast_in_dim3A_40 : vector<512x1xf32> to vector<512x128xf32>
    %eq3A_41 = arith.cmpf oeq, %add3A_35, %eq3A : vector<512x128xf32>
    %jit3A = arith.constant 128 : i32
    %broadcast_in_dim3A_42 = vector.broadcast %jit3A : i32 to vector<512x128xi32>
    %select_n3A = arith.select %eq3A_41, %iota3A, %broadcast_in_dim3A_42 : vector<512x128xi1>, vector<512x128xi32>
    %reduce_min3A_43 = arith.constant dense<2147483647> : vector<512xi32>
    %reduce_min3A_44 = vector.multi_reduction <minsi>, %select_n3A, %reduce_min3A_43 [1] : vector<512x128xi32> to vector<512xi32>
    %broadcast_in_dim3A_45 = vector.shape_cast %reduce_min3A_44 : vector<512xi32> to vector<512x1xi32>
    %eq3A_46 = vector.broadcast %broadcast_in_dim3A_45 : vector<512x1xi32> to vector<512x128xi32>
    %eq3A_47 = arith.cmpi eq, %iota3A, %eq3A_46 : vector<512x128xi32>
    %add3A_48 = arith.constant 9.99999993E-9 : f32
    %add3A_49 = vector.broadcast %add3A_48 : f32 to vector<512x1xf32>
    %add3A_50 = arith.addf %broadcast_in_dim3A_40, %add3A_49 : vector<512x1xf32>
    %div3A = arith.constant 1.000000e+00 : f32
    %div3A_51 = vector.broadcast %div3A : f32 to vector<512x1xf32>
    %div3A_52 = arith.divf %div3A_51, %add3A_50 : vector<512x1xf32>
    %add3A_53 = arith.addf %broadcast_in_dim3A_38, %div3A_52 : vector<512x1xf32>
    %jit3A_54 = arith.constant 1.000000e+30 : f32
    %broadcast_in_dim3A_55 = vector.broadcast %jit3A_54 : f32 to vector<512x128xf32>
    %select_n3A_56 = arith.select %eq3A_47, %broadcast_in_dim3A_55, %add3A_35 : vector<512x128xi1>, vector<512x128xf32>
    %reduce_min3A_57 = arith.constant dense<0x7F800000> : vector<512xf32>
    %reduce_min3A_58 = vector.multi_reduction <minimumf>, %select_n3A_56, %reduce_min3A_57 [1] : vector<512x128xf32> to vector<512xf32>
    %broadcast_in_dim3A_59 = vector.shape_cast %reduce_min3A_58 : vector<512xf32> to vector<512x1xf32>
    %eq3A_60 = vector.broadcast %broadcast_in_dim3A_59 : vector<512x1xf32> to vector<512x128xf32>
    %eq3A_61 = arith.cmpf oeq, %select_n3A_56, %eq3A_60 : vector<512x128xf32>
    %jit3A_62 = arith.constant 128 : i32
    %broadcast_in_dim3A_63 = vector.broadcast %jit3A_62 : i32 to vector<512x128xi32>
    %select_n3A_64 = arith.select %eq3A_61, %iota3A, %broadcast_in_dim3A_63 : vector<512x128xi1>, vector<512x128xi32>
    %reduce_min3A_65 = arith.constant dense<2147483647> : vector<512xi32>
    %reduce_min3A_66 = vector.multi_reduction <minsi>, %select_n3A_64, %reduce_min3A_65 [1] : vector<512x128xi32> to vector<512xi32>
    %broadcast_in_dim3A_67 = vector.shape_cast %reduce_min3A_66 : vector<512xi32> to vector<512x1xi32>
    %eq3A_68 = vector.broadcast %broadcast_in_dim3A_67 : vector<512x1xi32> to vector<512x128xi32>
    %eq3A_69 = arith.cmpi eq, %iota3A, %eq3A_68 : vector<512x128xi32>
    %add3A_70 = arith.constant 9.99999993E-9 : f32
    %add3A_71 = vector.broadcast %add3A_70 : f32 to vector<512x1xf32>
    %add3A_72 = arith.addf %broadcast_in_dim3A_59, %add3A_71 : vector<512x1xf32>
    %div3A_73 = arith.constant 1.000000e+00 : f32
    %div3A_74 = vector.broadcast %div3A_73 : f32 to vector<512x1xf32>
    %div3A_75 = arith.divf %div3A_74, %add3A_72 : vector<512x1xf32>
    %add3A_76 = arith.addf %add3A_53, %div3A_75 : vector<512x1xf32>
    %jit3A_77 = arith.constant 1.000000e+30 : f32
    %broadcast_in_dim3A_78 = vector.broadcast %jit3A_77 : f32 to vector<512x128xf32>
    %select_n3A_79 = arith.select %eq3A_69, %broadcast_in_dim3A_78, %select_n3A_56 : vector<512x128xi1>, vector<512x128xf32>
    %reduce_min3A_80 = arith.constant dense<0x7F800000> : vector<512xf32>
    %reduce_min3A_81 = vector.multi_reduction <minimumf>, %select_n3A_79, %reduce_min3A_80 [1] : vector<512x128xf32> to vector<512xf32>
    %broadcast_in_dim3A_82 = vector.shape_cast %reduce_min3A_81 : vector<512xf32> to vector<512x1xf32>
    %eq3A_83 = vector.broadcast %broadcast_in_dim3A_82 : vector<512x1xf32> to vector<512x128xf32>
    %eq3A_84 = arith.cmpf oeq, %select_n3A_79, %eq3A_83 : vector<512x128xf32>
    %jit3A_85 = arith.constant 128 : i32
    %broadcast_in_dim3A_86 = vector.broadcast %jit3A_85 : i32 to vector<512x128xi32>
    %select_n3A_87 = arith.select %eq3A_84, %iota3A, %broadcast_in_dim3A_86 : vector<512x128xi1>, vector<512x128xi32>
    %reduce_min3A_88 = arith.constant dense<2147483647> : vector<512xi32>
    %reduce_min3A_89 = vector.multi_reduction <minsi>, %select_n3A_87, %reduce_min3A_88 [1] : vector<512x128xi32> to vector<512xi32>
    %broadcast_in_dim3A_90 = vector.shape_cast %reduce_min3A_89 : vector<512xi32> to vector<512x1xi32>
    %eq3A_91 = vector.broadcast %broadcast_in_dim3A_90 : vector<512x1xi32> to vector<512x128xi32>
    %eq3A_92 = arith.cmpi eq, %iota3A, %eq3A_91 : vector<512x128xi32>
    %add3A_93 = arith.constant 9.99999993E-9 : f32
    %add3A_94 = vector.broadcast %add3A_93 : f32 to vector<512x1xf32>
    %add3A_95 = arith.addf %broadcast_in_dim3A_82, %add3A_94 : vector<512x1xf32>
    %div3A_96 = arith.constant 1.000000e+00 : f32
    %div3A_97 = vector.broadcast %div3A_96 : f32 to vector<512x1xf32>
    %div3A_98 = arith.divf %div3A_97, %add3A_95 : vector<512x1xf32>
    %add3A_99 = arith.addf %add3A_76, %div3A_98 : vector<512x1xf32>
    %convert_element_type3A_100 = arith.extui %eq3A_47 : vector<512x128xi1> to vector<512x128xi32>
    %convert_element_type3A_101 = arith.sitofp %convert_element_type3A_100 : vector<512x128xi32> to vector<512x128xf32>
    %div3A_102 = arith.divf %div3A_52, %add3A_99 : vector<512x1xf32>
    %mul3A_103 = vector.broadcast %div3A_102 : vector<512x1xf32> to vector<512x128xf32>
    %mul3A_104 = arith.mulf %convert_element_type3A_101, %mul3A_103 : vector<512x128xf32>
    %add3A_105 = arith.addf %broadcast_in_dim3A_36, %mul3A_104 : vector<512x128xf32>
    %convert_element_type3A_106 = arith.extui %eq3A_69 : vector<512x128xi1> to vector<512x128xi32>
    %convert_element_type3A_107 = arith.sitofp %convert_element_type3A_106 : vector<512x128xi32> to vector<512x128xf32>
    %div3A_108 = arith.divf %div3A_75, %add3A_99 : vector<512x1xf32>
    %mul3A_109 = vector.broadcast %div3A_108 : vector<512x1xf32> to vector<512x128xf32>
    %mul3A_110 = arith.mulf %convert_element_type3A_107, %mul3A_109 : vector<512x128xf32>
    %add3A_111 = arith.addf %add3A_105, %mul3A_110 : vector<512x128xf32>
    %convert_element_type3A_112 = arith.extui %eq3A_92 : vector<512x128xi1> to vector<512x128xi32>
    %convert_element_type3A_113 = arith.sitofp %convert_element_type3A_112 : vector<512x128xi32> to vector<512x128xf32>
    %div3A_114 = arith.divf %div3A_98, %add3A_99 : vector<512x1xf32>
    %mul3A_115 = vector.broadcast %div3A_114 : vector<512x1xf32> to vector<512x128xf32>
    %mul3A_116 = arith.mulf %convert_element_type3A_113, %mul3A_115 : vector<512x128xf32>
    %add3A_117 = arith.addf %add3A_111, %mul3A_116 : vector<512x128xf32>
    %get3A_118 = arith.constant 0 : index
    %get3A_119 = arith.constant 0 : index
    %get3A_120 = arith.constant 0 : index
    %get3A_121 = vector.load %arg4[%get3A_118, %get3A_119, %get3A_120] : memref<1x128x256xf32, #tpu.memory_space<vmem>>, vector<1x128x256xf32>
    %get3A_122 = vector.shape_cast %get3A_121 : vector<1x128x256xf32> to vector<128x256xf32>
    %dot_general3A_123 = arith.constant dense<0.000000e+00> : vector<512x256xf32>
    %dot_general3A_124 = tpu.matmul %add3A_117, %get3A_122, %dot_general3A_123 {dimension_numbers = #tpu.dot_dimension_numbers<[1], [0], [0], [1], [0, 0, 1, 1], [], []>, precision = #tpu.contract_precision<fp32>, transpose_lhs_hint = false} : vector<512x128xf32>, vector<128x256xf32>, vector<512x256xf32> -> vector<512x256xf32>
    %get3A_125 = arith.constant 0 : index
    %get3A_126 = arith.constant 0 : index
    %get3A_127 = arith.constant 0 : index
    %get3A_128 = vector.load %arg5[%get3A_125, %get3A_126, %get3A_127] : memref<1x512x320xf32, #tpu.memory_space<vmem>>, vector<1x512x320xf32>
    %get3A_129 = vector.shape_cast %get3A_128 : vector<1x512x320xf32> to vector<512x320xf32>
    %get3A_130 = arith.constant 0 : index
    %get3A_131 = arith.constant 0 : index
    %get3A_132 = vector.load %arg6[%get3A_130, %get3A_131] : memref<320x256xf32, #tpu.memory_space<vmem>>, vector<320x256xf32>
    %dot_general3A_133 = arith.constant dense<0.000000e+00> : vector<512x256xf32>
    %dot_general3A_134 = tpu.matmul %get3A_129, %get3A_132, %dot_general3A_133 {dimension_numbers = #tpu.dot_dimension_numbers<[1], [0], [0], [1], [0, 0, 1, 1], [], []>, precision = #tpu.contract_precision<fp32>, transpose_lhs_hint = false} : vector<512x320xf32>, vector<320x256xf32>, vector<512x256xf32> -> vector<512x256xf32>
    %get3A_135 = arith.constant 0 : index
    %get3A_136 = arith.constant 0 : index
    %get3A_137 = vector.load %arg7[%get3A_135, %get3A_136] : memref<256x256xf32, #tpu.memory_space<vmem>>, vector<256x256xf32>
    %dot_general3A_138 = arith.constant dense<0.000000e+00> : vector<512x256xf32>
    %dot_general3A_139 = tpu.matmul %dot_general3A_124, %get3A_137, %dot_general3A_138 {dimension_numbers = #tpu.dot_dimension_numbers<[1], [0], [0], [1], [0, 0, 1, 1], [], []>, precision = #tpu.contract_precision<fp32>, transpose_lhs_hint = false} : vector<512x256xf32>, vector<256x256xf32>, vector<512x256xf32> -> vector<512x256xf32>
    %add3A_140 = arith.addf %dot_general3A_134, %dot_general3A_139 : vector<512x256xf32>
    %get3A_141 = arith.constant 0 : index
    %get3A_142 = arith.constant 0 : index
    %get3A_143 = vector.load %arg8[%get3A_141, %get3A_142] : memref<1x256xf32, #tpu.memory_space<vmem>>, vector<1x256xf32>
    %add3A_144 = vector.broadcast %get3A_143 : vector<1x256xf32> to vector<512x256xf32>
    %add3A_145 = arith.addf %add3A_140, %add3A_144 : vector<512x256xf32>
    %max3A = arith.constant 0.000000e+00 : f32
    %max3A_146 = vector.broadcast %max3A : f32 to vector<512x256xf32>
    %max3A_147 = arith.maximumf %add3A_145, %max3A_146 : vector<512x256xf32>
    %get3A_148 = arith.constant 0 : index
    %get3A_149 = arith.constant 0 : index
    %get3A_150 = vector.load %arg9[%get3A_148, %get3A_149] : memref<256x128xf32, #tpu.memory_space<vmem>>, vector<256x128xf32>
    %dot_general3A_151 = arith.constant dense<0.000000e+00> : vector<512x128xf32>
    %dot_general3A_152 = tpu.matmul %max3A_147, %get3A_150, %dot_general3A_151 {dimension_numbers = #tpu.dot_dimension_numbers<[1], [0], [0], [1], [0, 0, 1, 1], [], []>, precision = #tpu.contract_precision<fp32>, transpose_lhs_hint = false} : vector<512x256xf32>, vector<256x128xf32>, vector<512x128xf32> -> vector<512x128xf32>
    %get3A_153 = arith.constant 0 : index
    %get3A_154 = arith.constant 0 : index
    %get3A_155 = vector.load %arg10[%get3A_153, %get3A_154] : memref<1x128xf32, #tpu.memory_space<vmem>>, vector<1x128xf32>
    %add3A_156 = vector.broadcast %get3A_155 : vector<1x128xf32> to vector<512x128xf32>
    %add3A_157 = arith.addf %dot_general3A_152, %add3A_156 : vector<512x128xf32>
    %max3A_158 = arith.constant 0.000000e+00 : f32
    %max3A_159 = vector.broadcast %max3A_158 : f32 to vector<512x128xf32>
    %max3A_160 = arith.maximumf %add3A_157, %max3A_159 : vector<512x128xf32>
    %swap3A = arith.constant 0 : index
    %swap3A_161 = arith.constant 0 : index
    %swap3A_162 = arith.constant 0 : index
    %swap3A_163 = vector.load %arg11[%swap3A, %swap3A_161, %swap3A_162] : memref<1x512x128xf32, #tpu.memory_space<vmem>>, vector<1x512x128xf32>
    %swap3A_164 = vector.shape_cast %swap3A_163 : vector<1x512x128xf32> to vector<512x128xf32>
    %swap3A_165 = vector.shape_cast %max3A_160 : vector<512x128xf32> to vector<1x512x128xf32>
    tpu.vector_store %arg11[%swap3A, %swap3A_161, %swap3A_162], %swap3A_165 {strides = array<i32>} : memref<1x512x128xf32, #tpu.memory_space<vmem>>, vector<1x512x128xf32>,
    return
  }
  func.func @transform_0(%arg0: i32, %arg1: i32) -> (i32, i32, i32) {
    %c0_i32 = arith.constant 0 : i32
    %c0_i32_0 = arith.constant 0 : i32
    return %arg0, %arg1, %c0_i32 : i32, i32, i32
  }
  func.func @transform_1(%arg0: i32, %arg1: i32) -> (i32, i32, i32) {
    %c0_i32 = arith.constant 0 : i32
    %c0_i32_0 = arith.constant 0 : i32
    %c0_i32_1 = arith.constant 0 : i32
    return %arg0, %c0_i32, %c0_i32_0 : i32, i32, i32
  }
  func.func @transform_2(%arg0: i32, %arg1: i32) -> (i32, i32, i32) {
    %c0_i32 = arith.constant 0 : i32
    %c0_i32_0 = arith.constant 0 : i32
    %c0_i32_1 = arith.constant 0 : i32
    return %arg0, %c0_i32, %c0_i32_0 : i32, i32, i32
  }
  func.func @transform_3(%arg0: i32, %arg1: i32) -> (i32, i32, i32) {
    %c0_i32 = arith.constant 0 : i32
    %c0_i32_0 = arith.constant 0 : i32
    return %arg0, %arg1, %c0_i32 : i32, i32, i32
  }
  func.func @transform_4(%arg0: i32, %arg1: i32) -> (i32, i32) {
    %c0_i32 = arith.constant 0 : i32
    %c0_i32_0 = arith.constant 0 : i32
    %c0_i32_1 = arith.constant 0 : i32
    return %c0_i32, %c0_i32_0 : i32, i32
  }
  func.func @transform_5(%arg0: i32, %arg1: i32) -> (i32, i32) {
    %c0_i32 = arith.constant 0 : i32
    %c0_i32_0 = arith.constant 0 : i32
    %c0_i32_1 = arith.constant 0 : i32
    return %c0_i32, %c0_i32_0 : i32, i32
  }
  func.func @transform_6(%arg0: i32, %arg1: i32) -> (i32, i32) {
    %c0_i32 = arith.constant 0 : i32
    %c0_i32_0 = arith.constant 0 : i32
    %c0_i32_1 = arith.constant 0 : i32
    return %c0_i32, %c0_i32_0 : i32, i32
  }
  func.func @transform_7(%arg0: i32, %arg1: i32) -> (i32, i32) {
    %c0_i32 = arith.constant 0 : i32
    %c0_i32_0 = arith.constant 0 : i32
    %c0_i32_1 = arith.constant 0 : i32
    return %c0_i32, %c0_i32_0 : i32, i32
  }
  func.func @transform_8(%arg0: i32, %arg1: i32) -> (i32, i32) {
    %c0_i32 = arith.constant 0 : i32
    %c0_i32_0 = arith.constant 0 : i32
    %c0_i32_1 = arith.constant 0 : i32
    return %c0_i32, %c0_i32_0 : i32, i32
  }
  func.func @transform_9(%arg0: i32, %arg1: i32) -> (i32, i32, i32) {
    %c0_i32 = arith.constant 0 : i32
    %c0_i32_0 = arith.constant 0 : i32
    return %arg0, %arg1, %c0_i32 : i32, i32, i32
  }
}

module attributes {stable_mosaic.version = 14 : i64} {
  func.func @_fp_body(%arg0: i32, %arg1: i32, %arg2: memref<1x2048x3xf32, #tpu.memory_space<vmem>>, %arg3: memref<1x3x512xf32, #tpu.memory_space<vmem>>, %arg4: memref<1x512x128xf32, #tpu.memory_space<vmem>>, %arg5: memref<1x2048x6xf32, #tpu.memory_space<vmem>>, %arg6: memref<6x128xf32, #tpu.memory_space<vmem>>, %arg7: memref<128x128xf32, #tpu.memory_space<vmem>>, %arg8: memref<1x128xf32, #tpu.memory_space<vmem>>, %arg9: memref<128x128xf32, #tpu.memory_space<vmem>>, %arg10: memref<1x128xf32, #tpu.memory_space<vmem>>, %arg11: memref<1x2048x128xf32, #tpu.memory_space<vmem>>) attributes {dimension_semantics = [#tpu.dimension_semantics<arbitrary>, #tpu.dimension_semantics<arbitrary>], iteration_bounds = array<i64: 16, 1>, scalar_prefetch = 0 : i64, scratch_operands = 0 : i64, tpu.core_type = #tpu.core_type<tc>, window_params = [{transform_indices = @transform_0, window_bounds = array<i64: 1, 2048, 3>}, {transform_indices = @transform_1, window_bounds = array<i64: 1, 3, 512>}, {transform_indices = @transform_2, window_bounds = array<i64: 1, 512, 128>}, {transform_indices = @transform_3, window_bounds = array<i64: 1, 2048, 6>}, {pipeline_mode = #tpu.pipeline_mode<synchronous>, transform_indices = @transform_4, window_bounds = array<i64: 6, 128>}, {pipeline_mode = #tpu.pipeline_mode<synchronous>, transform_indices = @transform_5, window_bounds = array<i64: 128, 128>}, {pipeline_mode = #tpu.pipeline_mode<synchronous>, transform_indices = @transform_6, window_bounds = array<i64: 1, 128>}, {pipeline_mode = #tpu.pipeline_mode<synchronous>, transform_indices = @transform_7, window_bounds = array<i64: 128, 128>}, {pipeline_mode = #tpu.pipeline_mode<synchronous>, transform_indices = @transform_8, window_bounds = array<i64: 1, 128>}, {transform_indices = @transform_9, window_bounds = array<i64: 1, 2048, 128>}]} {
    %get3A = arith.constant 0 : index
    %get3A_0 = arith.constant 0 : index
    %get3A_1 = arith.constant 0 : index
    %get3A_2 = vector.load %arg2[%get3A, %get3A_0, %get3A_1] : memref<1x2048x3xf32, #tpu.memory_space<vmem>>, vector<1x2048x3xf32>
    %get3A_3 = vector.shape_cast %get3A_2 : vector<1x2048x3xf32> to vector<2048x3xf32>
    %get3A_4 = arith.constant 0 : index
    %get3A_5 = arith.constant 0 : index
    %get3A_6 = arith.constant 0 : index
    %get3A_7 = vector.load %arg3[%get3A_4, %get3A_5, %get3A_6] : memref<1x3x512xf32, #tpu.memory_space<vmem>>, vector<1x3x512xf32>
    %get3A_8 = vector.shape_cast %get3A_7 : vector<1x3x512xf32> to vector<3x512xf32>
    %slice3A = vector.extract_strided_slice %get3A_3 {offsets = [0, 0], sizes = [2048, 1], strides = [1, 1]} : vector<2048x3xf32> to vector<2048x1xf32>
    %slice3A_9 = vector.extract_strided_slice %get3A_3 {offsets = [0, 0], sizes = [2048, 1], strides = [1, 1]} : vector<2048x3xf32> to vector<2048x1xf32>
    %mul3A = arith.mulf %slice3A, %slice3A_9 : vector<2048x1xf32>
    %slice3A_10 = vector.extract_strided_slice %get3A_3 {offsets = [0, 1], sizes = [2048, 1], strides = [1, 1]} : vector<2048x3xf32> to vector<2048x1xf32>
    %slice3A_11 = vector.extract_strided_slice %get3A_3 {offsets = [0, 1], sizes = [2048, 1], strides = [1, 1]} : vector<2048x3xf32> to vector<2048x1xf32>
    %mul3A_12 = arith.mulf %slice3A_10, %slice3A_11 : vector<2048x1xf32>
    %add3A = arith.addf %mul3A, %mul3A_12 : vector<2048x1xf32>
    %slice3A_13 = vector.extract_strided_slice %get3A_3 {offsets = [0, 2], sizes = [2048, 1], strides = [1, 1]} : vector<2048x3xf32> to vector<2048x1xf32>
    %slice3A_14 = vector.extract_strided_slice %get3A_3 {offsets = [0, 2], sizes = [2048, 1], strides = [1, 1]} : vector<2048x3xf32> to vector<2048x1xf32>
    %mul3A_15 = arith.mulf %slice3A_13, %slice3A_14 : vector<2048x1xf32>
    %add3A_16 = arith.addf %add3A, %mul3A_15 : vector<2048x1xf32>
    %slice3A_17 = vector.extract_strided_slice %get3A_8 {offsets = [0, 0], sizes = [1, 512], strides = [1, 1]} : vector<3x512xf32> to vector<1x512xf32>
    %slice3A_18 = vector.extract_strided_slice %get3A_8 {offsets = [0, 0], sizes = [1, 512], strides = [1, 1]} : vector<3x512xf32> to vector<1x512xf32>
    %mul3A_19 = arith.mulf %slice3A_17, %slice3A_18 : vector<1x512xf32>
    %slice3A_20 = vector.extract_strided_slice %get3A_8 {offsets = [1, 0], sizes = [1, 512], strides = [1, 1]} : vector<3x512xf32> to vector<1x512xf32>
    %slice3A_21 = vector.extract_strided_slice %get3A_8 {offsets = [1, 0], sizes = [1, 512], strides = [1, 1]} : vector<3x512xf32> to vector<1x512xf32>
    %mul3A_22 = arith.mulf %slice3A_20, %slice3A_21 : vector<1x512xf32>
    %add3A_23 = arith.addf %mul3A_19, %mul3A_22 : vector<1x512xf32>
    %slice3A_24 = vector.extract_strided_slice %get3A_8 {offsets = [2, 0], sizes = [1, 512], strides = [1, 1]} : vector<3x512xf32> to vector<1x512xf32>
    %slice3A_25 = vector.extract_strided_slice %get3A_8 {offsets = [2, 0], sizes = [1, 512], strides = [1, 1]} : vector<3x512xf32> to vector<1x512xf32>
    %mul3A_26 = arith.mulf %slice3A_24, %slice3A_25 : vector<1x512xf32>
    %add3A_27 = arith.addf %add3A_23, %mul3A_26 : vector<1x512xf32>
    %convert_element_type3A = arith.truncf %get3A_3 : vector<2048x3xf32> to vector<2048x3xbf16>
    %convert_element_type3A_28 = arith.truncf %get3A_8 : vector<3x512xf32> to vector<3x512xbf16>
    %dot_general3A = arith.constant dense<0.000000e+00> : vector<2048x512xf32>
    %dot_general3A_29 = tpu.matmul %convert_element_type3A, %convert_element_type3A_28, %dot_general3A {dimension_numbers = #tpu.dot_dimension_numbers<[1], [0], [0], [1], [0, 0, 1, 1], [], []>, transpose_lhs_hint = false} : vector<2048x3xbf16>, vector<3x512xbf16>, vector<2048x512xf32> -> vector<2048x512xf32>
    %mul3A_30 = arith.constant 2.000000e+00 : f32
    %mul3A_31 = vector.broadcast %mul3A_30 : f32 to vector<2048x512xf32>
    %mul3A_32 = arith.mulf %mul3A_31, %dot_general3A_29 : vector<2048x512xf32>
    %sub3A = vector.broadcast %add3A_16 : vector<2048x1xf32> to vector<2048x512xf32>
    %sub3A_33 = arith.subf %sub3A, %mul3A_32 : vector<2048x512xf32>
    %add3A_34 = vector.broadcast %add3A_27 : vector<1x512xf32> to vector<2048x512xf32>
    %add3A_35 = arith.addf %sub3A_33, %add3A_34 : vector<2048x512xf32>
    %iota3A = tpu.iota {dimensions = array<i32: 1>} : vector<2048x512xi32>
    %broadcast_in_dim3A = arith.constant 0.000000e+00 : f32
    %broadcast_in_dim3A_36 = vector.broadcast %broadcast_in_dim3A : f32 to vector<2048x512xf32>
    %broadcast_in_dim3A_37 = arith.constant 0.000000e+00 : f32
    %broadcast_in_dim3A_38 = vector.broadcast %broadcast_in_dim3A_37 : f32 to vector<2048x1xf32>
    %reduce_min3A = arith.constant dense<0x7F800000> : vector<2048xf32>
    %reduce_min3A_39 = vector.multi_reduction <minimumf>, %add3A_35, %reduce_min3A [1] : vector<2048x512xf32> to vector<2048xf32>
    %broadcast_in_dim3A_40 = vector.shape_cast %reduce_min3A_39 : vector<2048xf32> to vector<2048x1xf32>
    %eq3A = vector.broadcast %broadcast_in_dim3A_40 : vector<2048x1xf32> to vector<2048x512xf32>
    %eq3A_41 = arith.cmpf oeq, %add3A_35, %eq3A : vector<2048x512xf32>
    %jit3A = arith.constant 512 : i32
    %broadcast_in_dim3A_42 = vector.broadcast %jit3A : i32 to vector<2048x512xi32>
    %select_n3A = arith.select %eq3A_41, %iota3A, %broadcast_in_dim3A_42 : vector<2048x512xi1>, vector<2048x512xi32>
    %reduce_min3A_43 = arith.constant dense<2147483647> : vector<2048xi32>
    %reduce_min3A_44 = vector.multi_reduction <minsi>, %select_n3A, %reduce_min3A_43 [1] : vector<2048x512xi32> to vector<2048xi32>
    %broadcast_in_dim3A_45 = vector.shape_cast %reduce_min3A_44 : vector<2048xi32> to vector<2048x1xi32>
    %eq3A_46 = vector.broadcast %broadcast_in_dim3A_45 : vector<2048x1xi32> to vector<2048x512xi32>
    %eq3A_47 = arith.cmpi eq, %iota3A, %eq3A_46 : vector<2048x512xi32>
    %add3A_48 = arith.constant 9.99999993E-9 : f32
    %add3A_49 = vector.broadcast %add3A_48 : f32 to vector<2048x1xf32>
    %add3A_50 = arith.addf %broadcast_in_dim3A_40, %add3A_49 : vector<2048x1xf32>
    %div3A = arith.constant 1.000000e+00 : f32
    %div3A_51 = vector.broadcast %div3A : f32 to vector<2048x1xf32>
    %div3A_52 = arith.divf %div3A_51, %add3A_50 : vector<2048x1xf32>
    %add3A_53 = arith.addf %broadcast_in_dim3A_38, %div3A_52 : vector<2048x1xf32>
    %jit3A_54 = arith.constant 1.000000e+30 : f32
    %broadcast_in_dim3A_55 = vector.broadcast %jit3A_54 : f32 to vector<2048x512xf32>
    %select_n3A_56 = arith.select %eq3A_47, %broadcast_in_dim3A_55, %add3A_35 : vector<2048x512xi1>, vector<2048x512xf32>
    %reduce_min3A_57 = arith.constant dense<0x7F800000> : vector<2048xf32>
    %reduce_min3A_58 = vector.multi_reduction <minimumf>, %select_n3A_56, %reduce_min3A_57 [1] : vector<2048x512xf32> to vector<2048xf32>
    %broadcast_in_dim3A_59 = vector.shape_cast %reduce_min3A_58 : vector<2048xf32> to vector<2048x1xf32>
    %eq3A_60 = vector.broadcast %broadcast_in_dim3A_59 : vector<2048x1xf32> to vector<2048x512xf32>
    %eq3A_61 = arith.cmpf oeq, %select_n3A_56, %eq3A_60 : vector<2048x512xf32>
    %jit3A_62 = arith.constant 512 : i32
    %broadcast_in_dim3A_63 = vector.broadcast %jit3A_62 : i32 to vector<2048x512xi32>
    %select_n3A_64 = arith.select %eq3A_61, %iota3A, %broadcast_in_dim3A_63 : vector<2048x512xi1>, vector<2048x512xi32>
    %reduce_min3A_65 = arith.constant dense<2147483647> : vector<2048xi32>
    %reduce_min3A_66 = vector.multi_reduction <minsi>, %select_n3A_64, %reduce_min3A_65 [1] : vector<2048x512xi32> to vector<2048xi32>
    %broadcast_in_dim3A_67 = vector.shape_cast %reduce_min3A_66 : vector<2048xi32> to vector<2048x1xi32>
    %eq3A_68 = vector.broadcast %broadcast_in_dim3A_67 : vector<2048x1xi32> to vector<2048x512xi32>
    %eq3A_69 = arith.cmpi eq, %iota3A, %eq3A_68 : vector<2048x512xi32>
    %add3A_70 = arith.constant 9.99999993E-9 : f32
    %add3A_71 = vector.broadcast %add3A_70 : f32 to vector<2048x1xf32>
    %add3A_72 = arith.addf %broadcast_in_dim3A_59, %add3A_71 : vector<2048x1xf32>
    %div3A_73 = arith.constant 1.000000e+00 : f32
    %div3A_74 = vector.broadcast %div3A_73 : f32 to vector<2048x1xf32>
    %div3A_75 = arith.divf %div3A_74, %add3A_72 : vector<2048x1xf32>
    %add3A_76 = arith.addf %add3A_53, %div3A_75 : vector<2048x1xf32>
    %jit3A_77 = arith.constant 1.000000e+30 : f32
    %broadcast_in_dim3A_78 = vector.broadcast %jit3A_77 : f32 to vector<2048x512xf32>
    %select_n3A_79 = arith.select %eq3A_69, %broadcast_in_dim3A_78, %select_n3A_56 : vector<2048x512xi1>, vector<2048x512xf32>
    %reduce_min3A_80 = arith.constant dense<0x7F800000> : vector<2048xf32>
    %reduce_min3A_81 = vector.multi_reduction <minimumf>, %select_n3A_79, %reduce_min3A_80 [1] : vector<2048x512xf32> to vector<2048xf32>
    %broadcast_in_dim3A_82 = vector.shape_cast %reduce_min3A_81 : vector<2048xf32> to vector<2048x1xf32>
    %eq3A_83 = vector.broadcast %broadcast_in_dim3A_82 : vector<2048x1xf32> to vector<2048x512xf32>
    %eq3A_84 = arith.cmpf oeq, %select_n3A_79, %eq3A_83 : vector<2048x512xf32>
    %jit3A_85 = arith.constant 512 : i32
    %broadcast_in_dim3A_86 = vector.broadcast %jit3A_85 : i32 to vector<2048x512xi32>
    %select_n3A_87 = arith.select %eq3A_84, %iota3A, %broadcast_in_dim3A_86 : vector<2048x512xi1>, vector<2048x512xi32>
    %reduce_min3A_88 = arith.constant dense<2147483647> : vector<2048xi32>
    %reduce_min3A_89 = vector.multi_reduction <minsi>, %select_n3A_87, %reduce_min3A_88 [1] : vector<2048x512xi32> to vector<2048xi32>
    %broadcast_in_dim3A_90 = vector.shape_cast %reduce_min3A_89 : vector<2048xi32> to vector<2048x1xi32>
    %eq3A_91 = vector.broadcast %broadcast_in_dim3A_90 : vector<2048x1xi32> to vector<2048x512xi32>
    %eq3A_92 = arith.cmpi eq, %iota3A, %eq3A_91 : vector<2048x512xi32>
    %add3A_93 = arith.constant 9.99999993E-9 : f32
    %add3A_94 = vector.broadcast %add3A_93 : f32 to vector<2048x1xf32>
    %add3A_95 = arith.addf %broadcast_in_dim3A_82, %add3A_94 : vector<2048x1xf32>
    %div3A_96 = arith.constant 1.000000e+00 : f32
    %div3A_97 = vector.broadcast %div3A_96 : f32 to vector<2048x1xf32>
    %div3A_98 = arith.divf %div3A_97, %add3A_95 : vector<2048x1xf32>
    %add3A_99 = arith.addf %add3A_76, %div3A_98 : vector<2048x1xf32>
    %convert_element_type3A_100 = arith.extui %eq3A_47 : vector<2048x512xi1> to vector<2048x512xi32>
    %convert_element_type3A_101 = arith.sitofp %convert_element_type3A_100 : vector<2048x512xi32> to vector<2048x512xf32>
    %div3A_102 = arith.divf %div3A_52, %add3A_99 : vector<2048x1xf32>
    %mul3A_103 = vector.broadcast %div3A_102 : vector<2048x1xf32> to vector<2048x512xf32>
    %mul3A_104 = arith.mulf %convert_element_type3A_101, %mul3A_103 : vector<2048x512xf32>
    %add3A_105 = arith.addf %broadcast_in_dim3A_36, %mul3A_104 : vector<2048x512xf32>
    %convert_element_type3A_106 = arith.extui %eq3A_69 : vector<2048x512xi1> to vector<2048x512xi32>
    %convert_element_type3A_107 = arith.sitofp %convert_element_type3A_106 : vector<2048x512xi32> to vector<2048x512xf32>
    %div3A_108 = arith.divf %div3A_75, %add3A_99 : vector<2048x1xf32>
    %mul3A_109 = vector.broadcast %div3A_108 : vector<2048x1xf32> to vector<2048x512xf32>
    %mul3A_110 = arith.mulf %convert_element_type3A_107, %mul3A_109 : vector<2048x512xf32>
    %add3A_111 = arith.addf %add3A_105, %mul3A_110 : vector<2048x512xf32>
    %convert_element_type3A_112 = arith.extui %eq3A_92 : vector<2048x512xi1> to vector<2048x512xi32>
    %convert_element_type3A_113 = arith.sitofp %convert_element_type3A_112 : vector<2048x512xi32> to vector<2048x512xf32>
    %div3A_114 = arith.divf %div3A_98, %add3A_99 : vector<2048x1xf32>
    %mul3A_115 = vector.broadcast %div3A_114 : vector<2048x1xf32> to vector<2048x512xf32>
    %mul3A_116 = arith.mulf %convert_element_type3A_113, %mul3A_115 : vector<2048x512xf32>
    %add3A_117 = arith.addf %add3A_111, %mul3A_116 : vector<2048x512xf32>
    %get3A_118 = arith.constant 0 : index
    %get3A_119 = arith.constant 0 : index
    %get3A_120 = arith.constant 0 : index
    %get3A_121 = vector.load %arg4[%get3A_118, %get3A_119, %get3A_120] : memref<1x512x128xf32, #tpu.memory_space<vmem>>, vector<1x512x128xf32>
    %get3A_122 = vector.shape_cast %get3A_121 : vector<1x512x128xf32> to vector<512x128xf32>
    %dot_general3A_123 = arith.constant dense<0.000000e+00> : vector<2048x128xf32>
    %dot_general3A_124 = tpu.matmul %add3A_117, %get3A_122, %dot_general3A_123 {dimension_numbers = #tpu.dot_dimension_numbers<[1], [0], [0], [1], [0, 0, 1, 1], [], []>, precision = #tpu.contract_precision<fp32>, transpose_lhs_hint = false} : vector<2048x512xf32>, vector<512x128xf32>, vector<2048x128xf32> -> vector<2048x128xf32>
    %get3A_125 = arith.constant 0 : index
    %get3A_126 = arith.constant 0 : index
    %get3A_127 = arith.constant 0 : index
    %get3A_128 = vector.load %arg5[%get3A_125, %get3A_126, %get3A_127] : memref<1x2048x6xf32, #tpu.memory_space<vmem>>, vector<1x2048x6xf32>
    %get3A_129 = vector.shape_cast %get3A_128 : vector<1x2048x6xf32> to vector<2048x6xf32>
    %get3A_130 = arith.constant 0 : index
    %get3A_131 = arith.constant 0 : index
    %get3A_132 = vector.load %arg6[%get3A_130, %get3A_131] : memref<6x128xf32, #tpu.memory_space<vmem>>, vector<6x128xf32>
    %dot_general3A_133 = arith.constant dense<0.000000e+00> : vector<2048x128xf32>
    %dot_general3A_134 = tpu.matmul %get3A_129, %get3A_132, %dot_general3A_133 {dimension_numbers = #tpu.dot_dimension_numbers<[1], [0], [0], [1], [0, 0, 1, 1], [], []>, precision = #tpu.contract_precision<fp32>, transpose_lhs_hint = false} : vector<2048x6xf32>, vector<6x128xf32>, vector<2048x128xf32> -> vector<2048x128xf32>
    %get3A_135 = arith.constant 0 : index
    %get3A_136 = arith.constant 0 : index
    %get3A_137 = vector.load %arg7[%get3A_135, %get3A_136] : memref<128x128xf32, #tpu.memory_space<vmem>>, vector<128x128xf32>
    %dot_general3A_138 = arith.constant dense<0.000000e+00> : vector<2048x128xf32>
    %dot_general3A_139 = tpu.matmul %dot_general3A_124, %get3A_137, %dot_general3A_138 {dimension_numbers = #tpu.dot_dimension_numbers<[1], [0], [0], [1], [0, 0, 1, 1], [], []>, precision = #tpu.contract_precision<fp32>, transpose_lhs_hint = false} : vector<2048x128xf32>, vector<128x128xf32>, vector<2048x128xf32> -> vector<2048x128xf32>
    %add3A_140 = arith.addf %dot_general3A_134, %dot_general3A_139 : vector<2048x128xf32>
    %get3A_141 = arith.constant 0 : index
    %get3A_142 = arith.constant 0 : index
    %get3A_143 = vector.load %arg8[%get3A_141, %get3A_142] : memref<1x128xf32, #tpu.memory_space<vmem>>, vector<1x128xf32>
    %add3A_144 = vector.broadcast %get3A_143 : vector<1x128xf32> to vector<2048x128xf32>
    %add3A_145 = arith.addf %add3A_140, %add3A_144 : vector<2048x128xf32>
    %max3A = arith.constant 0.000000e+00 : f32
    %max3A_146 = vector.broadcast %max3A : f32 to vector<2048x128xf32>
    %max3A_147 = arith.maximumf %add3A_145, %max3A_146 : vector<2048x128xf32>
    %get3A_148 = arith.constant 0 : index
    %get3A_149 = arith.constant 0 : index
    %get3A_150 = vector.load %arg9[%get3A_148, %get3A_149] : memref<128x128xf32, #tpu.memory_space<vmem>>, vector<128x128xf32>
    %dot_general3A_151 = arith.constant dense<0.000000e+00> : vector<2048x128xf32>
    %dot_general3A_152 = tpu.matmul %max3A_147, %get3A_150, %dot_general3A_151 {dimension_numbers = #tpu.dot_dimension_numbers<[1], [0], [0], [1], [0, 0, 1, 1], [], []>, precision = #tpu.contract_precision<fp32>, transpose_lhs_hint = false} : vector<2048x128xf32>, vector<128x128xf32>, vector<2048x128xf32> -> vector<2048x128xf32>
    %get3A_153 = arith.constant 0 : index
    %get3A_154 = arith.constant 0 : index
    %get3A_155 = vector.load %arg10[%get3A_153, %get3A_154] : memref<1x128xf32, #tpu.memory_space<vmem>>, vector<1x128xf32>
    %add3A_156 = vector.broadcast %get3A_155 : vector<1x128xf32> to vector<2048x128xf32>
    %add3A_157 = arith.addf %dot_general3A_152, %add3A_156 : vector<2048x128xf32>
    %max3A_158 = arith.constant 0.000000e+00 : f32
    %max3A_159 = vector.broadcast %max3A_158 : f32 to vector<2048x128xf32>
    %max3A_160 = arith.maximumf %add3A_157, %max3A_159 : vector<2048x128xf32>
    %swap3A = arith.constant 0 : index
    %swap3A_161 = arith.constant 0 : index
    %swap3A_162 = arith.constant 0 : index
    %swap3A_163 = vector.load %arg11[%swap3A, %swap3A_161, %swap3A_162] : memref<1x2048x128xf32, #tpu.memory_space<vmem>>, vector<1x2048x128xf32>
    %swap3A_164 = vector.shape_cast %swap3A_163 : vector<1x2048x128xf32> to vector<2048x128xf32>
    %swap3A_165 = vector.shape_cast %max3A_160 : vector<2048x128xf32> to vector<1x2048x128xf32>
    tpu.vector_store %arg11[%swap3A, %swap3A_161, %swap3A_162], %swap3A_165 {strides = array<i32>} : memref<1x2048x128xf32, #tpu.memory_space<vmem>>, vector<1x2048x128xf32>,
    return
  }
  func.func @transform_0(%arg0: i32, %arg1: i32) -> (i32, i32, i32) {
    %c0_i32 = arith.constant 0 : i32
    %c0_i32_0 = arith.constant 0 : i32
    return %arg0, %arg1, %c0_i32 : i32, i32, i32
  }
  func.func @transform_1(%arg0: i32, %arg1: i32) -> (i32, i32, i32) {
    %c0_i32 = arith.constant 0 : i32
    %c0_i32_0 = arith.constant 0 : i32
    %c0_i32_1 = arith.constant 0 : i32
    return %arg0, %c0_i32, %c0_i32_0 : i32, i32, i32
  }
  func.func @transform_2(%arg0: i32, %arg1: i32) -> (i32, i32, i32) {
    %c0_i32 = arith.constant 0 : i32
    %c0_i32_0 = arith.constant 0 : i32
    %c0_i32_1 = arith.constant 0 : i32
    return %arg0, %c0_i32, %c0_i32_0 : i32, i32, i32
  }
  func.func @transform_3(%arg0: i32, %arg1: i32) -> (i32, i32, i32) {
    %c0_i32 = arith.constant 0 : i32
    %c0_i32_0 = arith.constant 0 : i32
    return %arg0, %arg1, %c0_i32 : i32, i32, i32
  }
  func.func @transform_4(%arg0: i32, %arg1: i32) -> (i32, i32) {
    %c0_i32 = arith.constant 0 : i32
    %c0_i32_0 = arith.constant 0 : i32
    %c0_i32_1 = arith.constant 0 : i32
    return %c0_i32, %c0_i32_0 : i32, i32
  }
  func.func @transform_5(%arg0: i32, %arg1: i32) -> (i32, i32) {
    %c0_i32 = arith.constant 0 : i32
    %c0_i32_0 = arith.constant 0 : i32
    %c0_i32_1 = arith.constant 0 : i32
    return %c0_i32, %c0_i32_0 : i32, i32
  }
  func.func @transform_6(%arg0: i32, %arg1: i32) -> (i32, i32) {
    %c0_i32 = arith.constant 0 : i32
    %c0_i32_0 = arith.constant 0 : i32
    %c0_i32_1 = arith.constant 0 : i32
    return %c0_i32, %c0_i32_0 : i32, i32
  }
  func.func @transform_7(%arg0: i32, %arg1: i32) -> (i32, i32) {
    %c0_i32 = arith.constant 0 : i32
    %c0_i32_0 = arith.constant 0 : i32
    %c0_i32_1 = arith.constant 0 : i32
    return %c0_i32, %c0_i32_0 : i32, i32
  }
  func.func @transform_8(%arg0: i32, %arg1: i32) -> (i32, i32) {
    %c0_i32 = arith.constant 0 : i32
    %c0_i32_0 = arith.constant 0 : i32
    %c0_i32_1 = arith.constant 0 : i32
    return %c0_i32, %c0_i32_0 : i32, i32
  }
  func.func @transform_9(%arg0: i32, %arg1: i32) -> (i32, i32, i32) {
    %c0_i32 = arith.constant 0 : i32
    %c0_i32_0 = arith.constant 0 : i32
    return %arg0, %arg1, %c0_i32 : i32, i32, i32
  }
}

module attributes {stable_mosaic.version = 14 : i64} {
  func.func @_heads_body(%arg0: i32, %arg1: i32, %arg2: memref<1x1024x128xf32, #tpu.memory_space<vmem>>, %arg3: memref<128x128xf32, #tpu.memory_space<vmem>>, %arg4: memref<1x128xf32, #tpu.memory_space<vmem>>, %arg5: memref<128x14xf32, #tpu.memory_space<vmem>>, %arg6: memref<1x14xf32, #tpu.memory_space<vmem>>, %arg7: memref<128x1792xf32, #tpu.memory_space<vmem>>, %arg8: memref<1x1792xf32, #tpu.memory_space<vmem>>, %arg9: memref<1x1792xf32, #tpu.memory_space<vmem>>, %arg10: memref<1x14xf32, #tpu.memory_space<vmem>>, %arg11: memref<1x1024x14xf32, #tpu.memory_space<vmem>>, %arg12: memref<1x1024x1xf32, #tpu.memory_space<vmem>>) attributes {dimension_semantics = [#tpu.dimension_semantics<arbitrary>, #tpu.dimension_semantics<arbitrary>], iteration_bounds = array<i64: 16, 2>, scalar_prefetch = 0 : i64, scratch_operands = 0 : i64, tpu.core_type = #tpu.core_type<tc>, window_params = [{transform_indices = @transform_0, window_bounds = array<i64: 1, 1024, 128>}, {pipeline_mode = #tpu.pipeline_mode<synchronous>, transform_indices = @transform_1, window_bounds = array<i64: 128, 128>}, {pipeline_mode = #tpu.pipeline_mode<synchronous>, transform_indices = @transform_2, window_bounds = array<i64: 1, 128>}, {pipeline_mode = #tpu.pipeline_mode<synchronous>, transform_indices = @transform_3, window_bounds = array<i64: 128, 14>}, {pipeline_mode = #tpu.pipeline_mode<synchronous>, transform_indices = @transform_4, window_bounds = array<i64: 1, 14>}, {pipeline_mode = #tpu.pipeline_mode<synchronous>, transform_indices = @transform_5, window_bounds = array<i64: 128, 1792>}, {pipeline_mode = #tpu.pipeline_mode<synchronous>, transform_indices = @transform_6, window_bounds = array<i64: 1, 1792>}, {pipeline_mode = #tpu.pipeline_mode<synchronous>, transform_indices = @transform_7, window_bounds = array<i64: 1, 1792>}, {pipeline_mode = #tpu.pipeline_mode<synchronous>, transform_indices = @transform_8, window_bounds = array<i64: 1, 14>}, {transform_indices = @transform_9, window_bounds = array<i64: 1, 1024, 14>}, {transform_indices = @transform_10, window_bounds = array<i64: 1, 1024, 1>}]} {
    %get3A = arith.constant 0 : index
    %get3A_0 = arith.constant 0 : index
    %get3A_1 = arith.constant 0 : index
    %get3A_2 = vector.load %arg2[%get3A, %get3A_0, %get3A_1] : memref<1x1024x128xf32, #tpu.memory_space<vmem>>, vector<1x1024x128xf32>
    %get3A_3 = vector.shape_cast %get3A_2 : vector<1x1024x128xf32> to vector<1024x128xf32>
    %get3A_4 = arith.constant 0 : index
    %get3A_5 = arith.constant 0 : index
    %get3A_6 = vector.load %arg3[%get3A_4, %get3A_5] : memref<128x128xf32, #tpu.memory_space<vmem>>, vector<128x128xf32>
    %dot_general3A = arith.constant dense<0.000000e+00> : vector<1024x128xf32>
    %dot_general3A_7 = tpu.matmul %get3A_3, %get3A_6, %dot_general3A {dimension_numbers = #tpu.dot_dimension_numbers<[1], [0], [0], [1], [0, 0, 1, 1], [], []>, precision = #tpu.contract_precision<fp32>, transpose_lhs_hint = false} : vector<1024x128xf32>, vector<128x128xf32>, vector<1024x128xf32> -> vector<1024x128xf32>
    %get3A_8 = arith.constant 0 : index
    %get3A_9 = arith.constant 0 : index
    %get3A_10 = vector.load %arg4[%get3A_8, %get3A_9] : memref<1x128xf32, #tpu.memory_space<vmem>>, vector<1x128xf32>
    %add3A = vector.broadcast %get3A_10 : vector<1x128xf32> to vector<1024x128xf32>
    %add3A_11 = arith.addf %dot_general3A_7, %add3A : vector<1024x128xf32>
    %max3A = arith.constant 0.000000e+00 : f32
    %max3A_12 = vector.broadcast %max3A : f32 to vector<1024x128xf32>
    %max3A_13 = arith.maximumf %add3A_11, %max3A_12 : vector<1024x128xf32>
    %get3A_14 = arith.constant 0 : index
    %get3A_15 = arith.constant 0 : index
    %get3A_16 = vector.load %arg5[%get3A_14, %get3A_15] : memref<128x14xf32, #tpu.memory_space<vmem>>, vector<128x14xf32>
    %dot_general3A_17 = arith.constant dense<0.000000e+00> : vector<1024x14xf32>
    %dot_general3A_18 = tpu.matmul %max3A_13, %get3A_16, %dot_general3A_17 {dimension_numbers = #tpu.dot_dimension_numbers<[1], [0], [0], [1], [0, 0, 1, 1], [], []>, precision = #tpu.contract_precision<fp32>, transpose_lhs_hint = false} : vector<1024x128xf32>, vector<128x14xf32>, vector<1024x14xf32> -> vector<1024x14xf32>
    %get3A_19 = arith.constant 0 : index
    %get3A_20 = arith.constant 0 : index
    %get3A_21 = vector.load %arg6[%get3A_19, %get3A_20] : memref<1x14xf32, #tpu.memory_space<vmem>>, vector<1x14xf32>
    %add3A_22 = vector.broadcast %get3A_21 : vector<1x14xf32> to vector<1024x14xf32>
    %add3A_23 = arith.addf %dot_general3A_18, %add3A_22 : vector<1024x14xf32>
    %swap3A = arith.constant 0 : index
    %swap3A_24 = arith.constant 0 : index
    %swap3A_25 = arith.constant 0 : index
    %swap3A_26 = vector.load %arg11[%swap3A, %swap3A_24, %swap3A_25] : memref<1x1024x14xf32, #tpu.memory_space<vmem>>, vector<1x1024x14xf32>
    %swap3A_27 = vector.shape_cast %swap3A_26 : vector<1x1024x14xf32> to vector<1024x14xf32>
    %swap3A_28 = vector.shape_cast %add3A_23 : vector<1024x14xf32> to vector<1x1024x14xf32>
    tpu.vector_store %arg11[%swap3A, %swap3A_24, %swap3A_25], %swap3A_28 {strides = array<i32>} : memref<1x1024x14xf32, #tpu.memory_space<vmem>>, vector<1x1024x14xf32>,
    %reduce_max3A = arith.constant dense<0xFF800000> : vector<1024xf32>
    %reduce_max3A_29 = vector.multi_reduction <maximumf>, %add3A_23, %reduce_max3A [1] : vector<1024x14xf32> to vector<1024xf32>
    %broadcast_in_dim3A = vector.shape_cast %reduce_max3A_29 : vector<1024xf32> to vector<1024x1xf32>
    %sub3A = vector.broadcast %broadcast_in_dim3A : vector<1024x1xf32> to vector<1024x14xf32>
    %sub3A_30 = arith.subf %add3A_23, %sub3A : vector<1024x14xf32>
    %exp3A = math.exp %sub3A_30 : vector<1024x14xf32>
    %reduce_sum3A = arith.constant dense<0.000000e+00> : vector<1024xf32>
    %reduce_sum3A_31 = vector.multi_reduction <add>, %exp3A, %reduce_sum3A [1] : vector<1024x14xf32> to vector<1024xf32>
    %broadcast_in_dim3A_32 = vector.shape_cast %reduce_sum3A_31 : vector<1024xf32> to vector<1024x1xf32>
    %div3A = vector.broadcast %broadcast_in_dim3A_32 : vector<1024x1xf32> to vector<1024x14xf32>
    %div3A_33 = arith.divf %exp3A, %div3A : vector<1024x14xf32>
    %get3A_34 = arith.constant 0 : index
    %get3A_35 = arith.constant 0 : index
    %get3A_36 = vector.load %arg7[%get3A_34, %get3A_35] : memref<128x1792xf32, #tpu.memory_space<vmem>>, vector<128x1792xf32>
    %dot_general3A_37 = arith.constant dense<0.000000e+00> : vector<1024x1792xf32>
    %dot_general3A_38 = tpu.matmul %get3A_3, %get3A_36, %dot_general3A_37 {dimension_numbers = #tpu.dot_dimension_numbers<[1], [0], [0], [1], [0, 0, 1, 1], [], []>, precision = #tpu.contract_precision<fp32>, transpose_lhs_hint = false} : vector<1024x128xf32>, vector<128x1792xf32>, vector<1024x1792xf32> -> vector<1024x1792xf32>
    %get3A_39 = arith.constant 0 : index
    %get3A_40 = arith.constant 0 : index
    %get3A_41 = vector.load %arg8[%get3A_39, %get3A_40] : memref<1x1792xf32, #tpu.memory_space<vmem>>, vector<1x1792xf32>
    %add3A_42 = vector.broadcast %get3A_41 : vector<1x1792xf32> to vector<1024x1792xf32>
    %add3A_43 = arith.addf %dot_general3A_38, %add3A_42 : vector<1024x1792xf32>
    %max3A_44 = arith.constant 0.000000e+00 : f32
    %max3A_45 = vector.broadcast %max3A_44 : f32 to vector<1024x1792xf32>
    %max3A_46 = arith.maximumf %add3A_43, %max3A_45 : vector<1024x1792xf32>
    %get3A_47 = arith.constant 0 : index
    %get3A_48 = arith.constant 0 : index
    %get3A_49 = vector.load %arg9[%get3A_47, %get3A_48] : memref<1x1792xf32, #tpu.memory_space<vmem>>, vector<1x1792xf32>
    %mul3A = vector.broadcast %get3A_49 : vector<1x1792xf32> to vector<1024x1792xf32>
    %mul3A_50 = arith.mulf %max3A_46, %mul3A : vector<1024x1792xf32>
    %reshape3A = vector.shape_cast %mul3A_50 : vector<1024x1792xf32> to vector<1024x14x128xf32>
    %reduce_sum3A_51 = arith.constant dense<0.000000e+00> : vector<1024x14xf32>
    %reduce_sum3A_52 = vector.multi_reduction <add>, %reshape3A, %reduce_sum3A_51 [2] : vector<1024x14x128xf32> to vector<1024x14xf32>
    %get3A_53 = arith.constant 0 : index
    %get3A_54 = arith.constant 0 : index
    %get3A_55 = vector.load %arg10[%get3A_53, %get3A_54] : memref<1x14xf32, #tpu.memory_space<vmem>>, vector<1x14xf32>
    %add3A_56 = vector.broadcast %get3A_55 : vector<1x14xf32> to vector<1024x14xf32>
    %add3A_57 = arith.addf %reduce_sum3A_52, %add3A_56 : vector<1024x14xf32>
    %mul3A_58 = arith.mulf %add3A_57, %div3A_33 : vector<1024x14xf32>
    %reduce_sum3A_59 = arith.constant dense<0.000000e+00> : vector<1024xf32>
    %reduce_sum3A_60 = vector.multi_reduction <add>, %mul3A_58, %reduce_sum3A_59 [1] : vector<1024x14xf32> to vector<1024xf32>
    %broadcast_in_dim3A_61 = vector.shape_cast %reduce_sum3A_60 : vector<1024xf32> to vector<1024x1xf32>
    %swap3A_62 = arith.constant 0 : index
    %swap3A_63 = arith.constant 0 : index
    %swap3A_64 = arith.constant 0 : index
    %swap3A_65 = vector.load %arg12[%swap3A_62, %swap3A_63, %swap3A_64] : memref<1x1024x1xf32, #tpu.memory_space<vmem>>, vector<1x1024x1xf32>
    %swap3A_66 = vector.shape_cast %swap3A_65 : vector<1x1024x1xf32> to vector<1024x1xf32>
    %swap3A_67 = vector.shape_cast %broadcast_in_dim3A_61 : vector<1024x1xf32> to vector<1x1024x1xf32>
    tpu.vector_store %arg12[%swap3A_62, %swap3A_63, %swap3A_64], %swap3A_67 {strides = array<i32>} : memref<1x1024x1xf32, #tpu.memory_space<vmem>>, vector<1x1024x1xf32>,
    return
  }
  func.func @transform_0(%arg0: i32, %arg1: i32) -> (i32, i32, i32) {
    %c0_i32 = arith.constant 0 : i32
    %c0_i32_0 = arith.constant 0 : i32
    return %arg0, %arg1, %c0_i32 : i32, i32, i32
  }
  func.func @transform_1(%arg0: i32, %arg1: i32) -> (i32, i32) {
    %c0_i32 = arith.constant 0 : i32
    %c0_i32_0 = arith.constant 0 : i32
    %c0_i32_1 = arith.constant 0 : i32
    return %c0_i32, %c0_i32_0 : i32, i32
  }
  func.func @transform_2(%arg0: i32, %arg1: i32) -> (i32, i32) {
    %c0_i32 = arith.constant 0 : i32
    %c0_i32_0 = arith.constant 0 : i32
    %c0_i32_1 = arith.constant 0 : i32
    return %c0_i32, %c0_i32_0 : i32, i32
  }
  func.func @transform_3(%arg0: i32, %arg1: i32) -> (i32, i32) {
    %c0_i32 = arith.constant 0 : i32
    %c0_i32_0 = arith.constant 0 : i32
    %c0_i32_1 = arith.constant 0 : i32
    return %c0_i32, %c0_i32_0 : i32, i32
  }
  func.func @transform_4(%arg0: i32, %arg1: i32) -> (i32, i32) {
    %c0_i32 = arith.constant 0 : i32
    %c0_i32_0 = arith.constant 0 : i32
    %c0_i32_1 = arith.constant 0 : i32
    return %c0_i32, %c0_i32_0 : i32, i32
  }
  func.func @transform_5(%arg0: i32, %arg1: i32) -> (i32, i32) {
    %c0_i32 = arith.constant 0 : i32
    %c0_i32_0 = arith.constant 0 : i32
    %c0_i32_1 = arith.constant 0 : i32
    return %c0_i32, %c0_i32_0 : i32, i32
  }
  func.func @transform_6(%arg0: i32, %arg1: i32) -> (i32, i32) {
    %c0_i32 = arith.constant 0 : i32
    %c0_i32_0 = arith.constant 0 : i32
    %c0_i32_1 = arith.constant 0 : i32
    return %c0_i32, %c0_i32_0 : i32, i32
  }
  func.func @transform_7(%arg0: i32, %arg1: i32) -> (i32, i32) {
    %c0_i32 = arith.constant 0 : i32
    %c0_i32_0 = arith.constant 0 : i32
    %c0_i32_1 = arith.constant 0 : i32
    return %c0_i32, %c0_i32_0 : i32, i32
  }
  func.func @transform_8(%arg0: i32, %arg1: i32) -> (i32, i32) {
    %c0_i32 = arith.constant 0 : i32
    %c0_i32_0 = arith.constant 0 : i32
    %c0_i32_1 = arith.constant 0 : i32
    return %c0_i32, %c0_i32_0 : i32, i32
  }
  func.func @transform_9(%arg0: i32, %arg1: i32) -> (i32, i32, i32) {
    %c0_i32 = arith.constant 0 : i32
    %c0_i32_0 = arith.constant 0 : i32
    return %arg0, %arg1, %c0_i32 : i32, i32, i32
  }
  func.func @transform_10(%arg0: i32, %arg1: i32) -> (i32, i32, i32) {
    %c0_i32 = arith.constant 0 : i32
    %c0_i32_0 = arith.constant 0 : i32
    return %arg0, %arg1, %c0_i32 : i32, i32, i32
  }
}

</mosaic_0001>

<sc_bundles>
// kernel: gather_offload_async_start.1
scs
__scs_entry_jumppad:
0x0: {  	(pc) =	sbr.rel $0x88, $3  }
0x1: {  	(tag) =	ssettag $0x0;
	lr =	simm.s32 $0x1  }
0x2: {  	[smem:$0x3F34] =	sst lr;
	_ =	strace $0xD0000000  }
0x3: {  	_ = 	snop  }
0x4: {  	_ = 	snop  }
0x5: {  	_ = 	snop  }
0x6: {  	_ = 	snop  }
0x7: {  	_ = 	snop  }
__scs_overlays_trampoline_lowered:
0x8: {  	[smem:$0x3F43] =	sst s0  }
0x9: {  	[smem:$0x3F44] =	sst s1  }
0xa: {  	[smem:$0x3F45] =	sst s2  }
0xb: {  	[smem:$0x3F46] =	sst s3  }
0xc: {  	[smem:$0x3F47] =	sst s4  }
0xd: {  	[smem:$0x3F48] =	sst s5  }
0xe: {  	[smem:$0x3F49] =	sst s6  }
0xf: {  	[smem:$0x3F4A] =	sst s7  }
0x10: {  	[smem:$0x3F4B] =	sst s8  }
0x11: {  	[smem:$0x3F4C] =	sst s9;
	s0 =	simm.s32 @!p0 $0x0  }
0x12: {  	s1 =	sld [smem:$0x3F32];
	s0 =	simm.s32 @p0 $0x1  }
0x13: {  	[smem:$0x3F4D] =	sst s0;
	s0 =	simm.s32 @!p1 $0x0  }
0x14: {  	s2 =	sld [smem:$0x3F31];
	s0 =	simm.s32 @p1 $0x1  }
0x15: {  	[smem:$0x3F4E] =	sst s0;
	s0 =	simm.s32 @!p2 $0x0  }
0x16: {  	s3 =	sld [smem:$0x3FDB];
	s0 =	simm.s32 @p2 $0x1  }
0x17: {  	s4 =	simm.s32 $0x1BF5;
	[smem:$0x3F50] =	sst s0  }
0x18: {  	s0 =	sld [smem:$0x3F33];
	_ =	swait.ge [sflag:s4], $0x0  }
0x19: {  	s7 =	sld [smem:$0x3F34]  }
0x1a: {  	s8 =	sadd.s32 $0xFFFFE003, lr  }
0x1b: {  	s9 =	sadd.s32 $0xFFFFFEF7, lr;
	s5 =	simm.s32 $0xFFFFFFFF;
	p2 =	slt.u32 s8, $0xFFFFF086  }
0x1c: {  	p1 =	slt.u32 s9, $0xF7A;
	s5 =	simm.s32 @!p2 $0x0  }
0x1d: {  	s5 =	simm.s32 @p1 $0x1;
	p0 =	seq.s32 s7, s2  }
0x1e: {  	s7 =	smul.u32 @!p0 $0xF7A, s2;
	p2 =	seq.s32 @!p0 s5, $0x0  }
0x1f: {  	s9 =	smul.u32 $0xF7A, s1;
	s8 =	simm.s32 @!p0 $0x1BF5;
	p2 =	por !p2, p0  }
0x20: {  	[sflag:s8] =	ssyncset.s32 @!p0 $0xFFFFF086;
	s6 =	sadd.s32 @!p0 s3, s7;
	s7 =	simm.s32 @!p0 $0x108  }
0x21: {  	s3 =	sadd.s32 s3, s9;
	s6 =	sadd.s32 @!p0 $0x88, s6;
	s7 =	simm.s32 @p2 $0x1082  }
0x22: {  	[simem:s7], [sflag:s8] =	dma.local @!p0 [hbm:s6], $0xF7A  }
0x23: {  	s9 =	sor.u32 $0xD0000000, s2;
	s6 =	simm.s32 $0x108;
	_ =	swait.ge @!p0 [sflag:s8], $0x0  }
0x24: {  	s3 =	sadd.s32 $0x88, s3;
	s6 =	simm.s32 @!p1 $0x1082;
	[sflag:s4] =	ssyncset.s32 $0xFFFFF086  }
0x25: {  	[simem:s6], [sflag:s4] =	dma.local [hbm:s3], $0xF7A  }
0x26: {  	[smem:$0x3F34] =	sst s1;
	(tag) =	ssettag s2;
	_ =	strace s9  }
0x27: {  	s1 =	sld [smem:$0x3F44]  }
0x28: {  	s2 =	sld [smem:$0x3F45]  }
0x29: {  	s4 =	sld [smem:$0x3F47]  }
0x2a: {  	p0 =	seq.s32 s5, $0x0;
	s5 =	sld [smem:$0x3F48]  }
0x2b: {  	s6 =	sld [smem:$0x3F49]  }
0x2c: {  	s7 =	sld [smem:$0x3F4A]  }
0x2d: {  	s3 =	simm.s32 $0x108;
	s8 =	sld [smem:$0x3F4B]  }
0x2e: {  	s3 =	simm.s32 @!p0 $0x1082;
	s9 =	sld [smem:$0x3F4C]  }
0x2f: {  	lr =	sadd.s32 s0, s3;
	s0 =	sld [smem:$0x3F43]  }
0x30: {  	s3 =	sld [smem:$0x3F46]  }
0x31: {  	[smem:$0x3F4F] =	sst s10  }
0x32: {  	s10 =	sld [smem:$0x3F4D];
	_ =	sdelay $0x3  }
0x33: {  	p0 =	seq.s32 s10, $0x1;
	s10 =	sld [smem:$0x3F4F];
	_ =	sdelay $0x3  }
0x34: {  	[smem:$0x3F4F] =	sst s10  }
0x35: {  	s10 =	sld [smem:$0x3F4E];
	_ =	sdelay $0x3  }
0x36: {  	p1 =	seq.s32 s10, $0x1;
	s10 =	sld [smem:$0x3F4F];
	_ =	sdelay $0x3  }
0x37: {  	[smem:$0x3F4F] =	sst s10  }
0x38: {  	s10 =	sld [smem:$0x3F50]  }
0x39: {  	_ = 	snop;
	(pc) =	sbr.ind lr, $3  }
0x3a: {  	_ = 	snop  }
0x3b: {  	_ = 	snop  }
0x3c: {  	p2 =	seq.s32 s10, $0x1;
	s10 =	sld [smem:$0x3F4F]  }
0x3d: {  	_ =	shalt  }
0x3e: {  	_ =	shalt  }
0x3f: {  	_ =	shalt  }
0x40: {  	_ =	shalt  }
0x41: {  	_ =	shalt  }
0x42: {  	_ =	shalt  }
0x43: {  	_ =	shalt  }
0x44: {  	_ =	shalt  }
0x45: {  	_ =	shalt  }
0x46: {  	_ =	shalt  }
0x47: {  	_ =	shalt  }
0x48: {  	_ =	shalt  }
0x49: {  	_ =	shalt  }
0x4a: {  	_ =	shalt  }
0x4b: {  	_ =	shalt  }
0x4c: {  	_ =	shalt  }
0x4d: {  	_ =	shalt  }
0x4e: {  	_ =	shalt  }
0x4f: {  	_ =	shalt  }
0x50: {  	_ =	shalt  }
0x51: {  	_ =	shalt  }
0x52: {  	_ =	shalt  }
0x53: {  	_ =	shalt  }
0x54: {  	_ =	shalt  }
0x55: {  	_ =	shalt  }
0x56: {  	_ =	shalt  }
0x57: {  	_ =	shalt  }
0x58: {  	_ =	shalt  }
0x59: {  	_ =	shalt  }
0x5a: {  	_ =	shalt  }
0x5b: {  	_ =	shalt  }
0x5c: {  	_ =	shalt  }
0x5d: {  	_ =	shalt  }
0x5e: {  	_ =	shalt  }
0x5f: {  	_ =	shalt  }
0x60: {  	_ =	shalt  }
0x61: {  	_ =	shalt  }
0x62: {  	_ =	shalt  }
0x63: {  	_ =	shalt  }
0x64: {  	_ =	shalt  }
0x65: {  	_ =	shalt  }
0x66: {  	_ =	shalt  }
0x67: {  	_ =	shalt  }
0x68: {  	_ =	shalt  }
0x69: {  	_ =	shalt  }
0x6a: {  	_ =	shalt  }
0x6b: {  	_ =	shalt  }
0x6c: {  	_ =	shalt  }
0x6d: {  	_ =	shalt  }
0x6e: {  	_ =	shalt  }
0x6f: {  	_ =	shalt  }
0x70: {  	_ =	shalt  }
0x71: {  	_ =	shalt  }
0x72: {  	_ =	shalt  }
0x73: {  	_ =	shalt  }
0x74: {  	_ =	shalt  }
0x75: {  	_ =	shalt  }
0x76: {  	_ =	shalt  }
0x77: {  	_ =	shalt  }
0x78: {  	_ =	shalt  }
0x79: {  	_ =	shalt  }
0x7a: {  	_ =	shalt  }
0x7b: {  	_ =	shalt  }
0x7c: {  	_ =	shalt  }
0x7d: {  	_ =	shalt  }
0x7e: {  	_ =	shalt  }
0x7f: {  	_ =	shalt  }
0x80: {  	_ =	shalt  }
0x81: {  	_ =	shalt  }
0x82: {  	_ =	shalt  }
0x83: {  	_ =	shalt  }
0x84: {  	_ =	shalt  }
0x85: {  	_ =	shalt  }
0x86: {  	_ =	shalt  }
0x87: {  	_ =	shalt  }
.Lfunc_end0:
.L_simem_size_0:
called_computation.1_lowered:
.L_overlay_start_0:
0x88: {  	s2 =	sld [smem:$0x3FD9]  }
0x89: {  	s3 =	sld [smem:$0x3FFE];
	_ =	sdelay $0x1  }
0x8a: {  	s1 =	srdreg.scid  }
0x8b: {  	s0 =	sand.u32 $0x1, s1  }
0x8c: {  	s16 =	sshll.u32 s0, $0xA;
	s2 =	sadd.s32 s3, s2  }
0x8d: {  	s2 =	sadd.s32 s2, s16  }
0x8e: {  	[smem:$0x3F5B] =	sst s2  }
0x8f: {  	_ = 	snop  }
0x90: {  	(tm) =	ssettm $0x1  }
0x91: {  	s17 =	sld [smem:$0x3FFB];
	_ =	sdelay $0x3  }
0x92: {  	_ =	strace s17  }
0x93: {  	s2 =	sld [smem:$0x3FFC];
	_ =	sdelay $0x3  }
0x94: {  	_ =	strace s2  }
0x95: {  	s2 =	sld [smem:$0x3FFD];
	_ =	sdelay $0x3  }
0x96: {  	_ =	strace s2  }
0x97: {  	_ =	strace $0x8FFFFFFF  }
0x98: {  	s18 =	sld [smem:$0x3FDB];
	_ =	sdelay $0x1  }
0x99: {  	s19 =	simm.s32 $_scs_section_size  }
0x9a: {  	s4 =	simm.s32 $_size__tile_overlayer_lowered;
	s5 =	simm.s32 $_tile_overlayer_lowered  }
0x9b: {  	s22 =	simm.s32 $0x1BFF;
	s21 =	sshll.u32 s5, $0x1;
	s2 =	sadd.s32 s19, s18  }
0x9c: {  	s6 =	simm.s32 $0x0;
	s20 =	sshll.u32 s4, $0x1;
	s4 =	sadd.s32 s21, s2  }
0x9d: {  	[timem:s6], [sflag:s22] =	dma.local [hbm:s4], s20  }
0x9e: {  	_ =	swait.ge [sflag:s22], s20  }
0x9f: {  	s3 =	ssub.s32 $0x0, s20;
	[sflag:s22] =	ssyncset.done $0x0  }
0xa0: {  	[sflag:s22] =	ssyncadd.s32 s3;
	_ =	sdelay $0x1  }
0xa1: {  	s23 =	simm.s32 $0x1B8B  }
0xa2: {  	_ =	swait.ge [sflag:s23], $0x1  }
0xa3: {  	[sflag:s23] =	ssyncset.done $0x0  }
0xa4: {  	s25 =	simm.s32 $0x1B8E;
	s24 =	sld [smem:$0x3FFE];
	[sflag:s23] =	ssyncadd.s32 $0xFFFFFFFF  }
0xa5: {  	s26 =	simm.s32 $execute0_lowered;
	[smem:$0x3FD2] =	sst s25  }
0xa6: {  	s4 =	sshll.u32 s26, $0x1;
	_ =	strace $0x80000049;
	[dreg:$0x1] =	wrdreg $0xFFFFFFFF  }
0xa7: {  	s28 =	simm.s32 $_size_execute0_lowered;
	s2 =	sadd.s32 s2, s4;
	[dreg:$0x0] =	wrdreg $0x0  }
0xa8: {  	s4 =	sshll.u32 s28, $0x1;
	[dreg:$0x2] =	wrdreg s2  }
0xa9: {  	[dreg:$0x3] =	wrdreg s4  }
0xaa: {  	[dreg:$0x4] =	wrdreg $0xC0  }
0xab: {  	_ =	task [dreg:s6], $0x5FFFF  }
0xac: {  	[dreg:$0x1] =	wrdreg $0xFFFFFFFF  }
0xad: {  	[dreg:$0x0] =	wrdreg $0x60  }
0xae: {  	[dreg:$0x2] =	wrdreg s24  }
0xaf: {  	[dreg:$0x3] =	wrdreg $0x9  }
0xb0: {  	_ =	task.clear_ibuf [dreg:s6], $0x4FFFF;
	_ =	strace $0x90000049  }
0xb1: {  	s29 =	simm.s32 $0x9;
	_ =	strace $0x8000004B  }
0xb2: {  	_ =	swait.ge [sflag:s29], $0x1  }
0xb3: {  	[sflag:s29] =	ssyncadd.s32 $0xFFFFFFFF  }
0xb4: {  	_ =	strace $0x9000004B  }
0xb5: {  	_ =	sfence  }
0xb6: {  	s30 =	sld [smem:$0x0];
	_ =	sdelay $0x2  }
0xb7: {  	s31 =	sshll.u32 s1, $0xD;
	s1 =	sshrl.u32 s1, $0x2  }
0xb8: {  	s3 =	sand.u32 $0x4000, s31;
	s1 =	sadd.s32 s1, s30  }
0xb9: {  	s0 =	sor.u32 s3, s0;
	s1 =	sshll.u32 s1, $0x11  }
0xba: {  	s0 =	sor.u32 s1, s0  }
0xbb: {  	s0 =	sadd.s32 $0x8F2B, s0  }
0xbc: {  	[sflag:s0] =	ssyncadd.remote.s32 $0x1  }
0xbd: {  	_ =	sfence.sel $0xFFFF  }
0xbe: {  	[dreg:$0x0] =	wrdreg $0xFFFFFFFF;
	(pc) =	sbr.abs _section_cstart, $3  }
0xbf: {  	[dreg:$0x1] =	wrdreg $0xFFFFFFFF  }
0xc0: {  	_ =	task.clear_ibuf [dreg:s6], $0x2FFFF;
	_ =	strace $0x9FFFFFFF  }
0xc1: {  	(tm) =	ssettm $0x7FFFFFFF  }
tec
execute0_lowered:
.L_overlay_start_1:
0x0: {  	(tag) =	ssettag $0x1  }
0x1: {  	s7 =	rddreg [dreg:$0x0]  }
0x2: {  	s0 =	rddreg [dreg:$0x1];
	_ =	strace $0x8000004A  }
0x3: {  	s1 =	srdreg.scid;
	s4 =	simm.s32 $0x1;
	s9 =	simm.s32 $0x3  }
0x4: {  	s12 =	simm.s32 $0x0;
	s10 =	simm.s32 $0x0;
	s5 =	sshll.u32 s1, $0x4  }
.Ltmp0:
0x5: {  	s1 =	stileid.u32;
	s5 =	sand.u32 $0x10, s5;
	(pc) =	sbr.rel .LBB2_1-.Ltmp0, $4  }
0x6: {  	s2 =	sadd.s32 $0xBFA00, s7;
	s3 =	sadd.s32 $0x166200, s7;
	s6 =	sor.u32 s1, s5  }
0x7: {  	[sflag:s4] =	ssyncpa.u1 $0x0;
	s5 =	simm.s32 $0x2;
	s6 =	sshll.u32 s6, $0x6  }
0x8: {  	s7 =	sadd.s32 $0x166400, s7;
	[sflag:s5] =	ssyncpa.u1 $0x0;
	s8 =	sadd.s32 $0x40, s6  }
0x9: {  	vm0 =	vmmov $0xff;
	vm1 =	vcmask $0x3F20;
	[sflag:s9] =	ssyncpa.u1 $0x0;
	s9 =	simm.s32 $0x40;
	s11 =	smov.u32 s6  }
.LBB2_9:
0xa: {  	p0 =	seq.s32 s10, $0x2  }
.Ltmp1:
0xb: {  	_ = 	snop;
	(pc) =	sbr.rel @p0 .LBB2_11-.Ltmp1, $1  }
0xc: {  	_ =	sdelay $0x3  }
.LBB2_10:
0xd: {  	s12 =	sadd.s32 $0x40, s11  }
0xe: {  	s13 =	smov.u32 s6;
	p0 =	slt.s32 s12, s8  }
0xf: {  	s13 =	smov.u32 @p0 s12  }
0x10: {  	s10 =	sadd.s32 $0x1, s10;
	s12 =	smov.u32 s11;
	s11 =	smov.u32 s13  }
.LBB2_1:
0x11: {  	p0 =	sne.s32 s10, $0x0  }
.Ltmp2:
0x12: {  	_ = 	snop;
	(pc) =	sbr.rel @!p0 .LBB2_2-.Ltmp2, $1  }
0x13: {  	_ =	sdelay $0x3  }
0x14: {  	s13 =	sand.u32 $0x1, s10  }
0x15: {  	p0 =	seq.s32 s13, $0x0  }
.Ltmp3:
0x16: {  	_ = 	snop;
	(pc) =	sbr.rel @p0 .LBB2_9-.Ltmp3, $1  }
0x17: {  	_ =	sdelay $0x3  }
0x18: {  	_ =	swait.ge [sflag:s5], $0x40  }
0x19: {  	[sflag:s5] =	ssyncset.done $0x0  }
0x1a: {  	s13 =	simm.s32 $0x0;
	[sflag:s5] =	ssyncadd.s32 $0xFFFFFFC0  }
0x1b: {  	v0 =	vld.msk [tilespmem:s13+$0x40 ss:$0x1], $0xffff;
	_ =	sdelay $0x4  }
0x1c: {  	v1 =	vshll.u32 v0, $0x3  }
0x1d: {  	vm2 =	veq.s32 v0, $0x80000000;
	v0 =	vshll.u32 v0, $0x10;
	v1 =	vand.u32 $0xFF80, v1  }
0x1e: {  	v0 =	vand.u32 $0xF0000, v0;
	v1 =	vsel vm2, $0xFFFFFF80, v1  }
0x1f: {  	v0 =	vsel vm2, $0xFFFF0000, v0;
	v2 =	vand.u32 $0xFFFFFC00, v1  }
0x20: {  	v1 =	vand.u32 $0x380, v1;
	v0 =	vadd.s32 v0, v2  }
0x21: {  	v0 =	vor.u32 v1, v0  }
0x22: {  	v0 =	vshrl.u32 v0, $0x3;
	_ =	sdelay $0x3  }
0x23: {  	s13 =	simm.s32 $0x2080  }
0x24: {  	[tilespmem:s13], [sflag:$0x1] =	stream.indirect_vreg.gather [hbm:s2], $0x80, v0, vm0, $0x38;
	[tilespmem:$0x4080] =	vst v63  }
0x25: {  	s14 =	simm.s32 $0x2480;
	s31 =	simm.s32 $0x10  }
0x26: {  	[tilespmem:s14], [sflag:$0x1] =	stream.indirect_vreg.gather [hbm:s2], $0x80, v0, vm1, $0x38;
	[tilespmem:$0x4080] =	vst v63  }
0x27: {  	s14 =	simm.s32 $0x80;
	v0 =	vld.msk [tilespmem:s31+$0x40 ss:$0x1], $0xffff  }
.LBB2_5:
0x28: {  	p0 =	sne.s32 s14, $0xC0;
	_ =	sdelay $0x4  }
0x29: {  	v1 =	vshll.u32 v0, $0x3  }
0x2a: {  	vm2 =	veq.s32 v0, $0x80000000;
	v0 =	vshll.u32 v0, $0x10;
	v1 =	vand.u32 $0xFF80, v1  }
0x2b: {  	v0 =	vand.u32 $0xF0000, v0;
	v1 =	vsel vm2, $0xFFFFFF80, v1  }
0x2c: {  	v0 =	vsel vm2, $0xFFFF0000, v0;
	v2 =	vand.u32 $0xFFFFFC00, v1  }
0x2d: {  	v1 =	vand.u32 $0x380, v1;
	v0 =	vadd.s32 v0, v2  }
0x2e: {  	v0 =	vor.u32 v1, v0  }
0x2f: {  	v0 =	vshrl.u32 v0, $0x3;
	_ =	sdelay $0x3  }
.Ltmp4:
0x30: {  	s13 =	sadd.s32 $0x800, s13;
	(pc) =	sbr.rel @p0 .LBB2_5-.Ltmp4, $4  }
0x31: {  	[tilespmem:s13], [sflag:$0x1] =	stream.indirect_vreg.gather [hbm:s2], $0x80, v0, vm0, $0x38;
	[tilespmem:$0x4080] =	vst v63  }
0x32: {  	s15 =	sshra.s32 s14, $0x2;
	s16 =	sadd.s32 $0x400, s13  }
0x33: {  	[tilespmem:s16], [sflag:$0x1] =	stream.indirect_vreg.gather [hbm:s2], $0x80, v0, vm1, $0x38;
	[tilespmem:$0x4080] =	vst v63  }
0x34: {  	s14 =	sadd.s32 $0x40, s14;
	v0 =	vld.msk [tilespmem:s15+$0x40 ss:$0x1], $0xffff  }
0x35: {  	_ =	sdelay $0x3  }
0x36: {  	v1 =	vshll.u32 v0, $0x3  }
0x37: {  	vm2 =	veq.s32 v0, $0x80000000;
	v63 =	vshll.u32 v0, $0x10;
	v1 =	vand.u32 $0xFF80, v1  }
0x38: {  	v0 =	vand.u32 $0xF0000, v63;
	v1 =	vsel vm2, $0xFFFFFF80, v1  }
0x39: {  	v0 =	vsel vm2, $0xFFFF0000, v0;
	v2 =	vand.u32 $0xFFFFFC00, v1  }
0x3a: {  	v1 =	vand.u32 $0x380, v1;
	v0 =	vadd.s32 v0, v2  }
0x3b: {  	v0 =	vor.u32 v1, v0  }
0x3c: {  	v0 =	vshrl.u32 v0, $0x3;
	_ =	sdelay $0x3  }
0x3d: {  	s13 =	sadd.s32 $0x800, s13  }
0x3e: {  	[tilespmem:s13], [sflag:$0x1] =	stream.indirect_vreg.gather [hbm:s2], $0x80, v0, vm0, $0x38;
	[tilespmem:$0x4080] =	vst v63  }
0x3f: {  	s13 =	sadd.s32 $0x400, s13  }
0x40: {  	[tilespmem:s13], [sflag:$0x1] =	stream.indirect_vreg.gather [hbm:s2], $0x80, v0, vm1, $0x38;
	[tilespmem:$0x4080] =	vst v63  }
0x41: {  	s12 =	sshll.u32 s12, $0x4;
	s14 =	simm.s32 $0x80;
	_ =	swait.ge [sflag:s4], $0x2000  }
0x42: {  	s15 =	simm.s32 $0x2480;
	s12 =	sadd.s32 s12, s7;
	[sflag:s4] =	ssyncset.done $0x0  }
0x43: {  	s16 =	sadd.s32 $0x0, s12;
	s13 =	simm.s32 $0x2080;
	[sflag:s4] =	ssyncadd.s32 $0xFFFFE000  }
.LBB2_7:
0x44: {  	[hbm:s16] =	stream.linear.scatter [tilespmem:s13], [sflag:$0x3], $0x400, $0x38;
	[tilespmem:$0x4080] =	vst v63  }
0x45: {  	s16 =	smov.u32 s14;
	s13 =	smov.u32 s15;
	p0 =	sne.s32 s14, $0x380  }
.Ltmp5:
0x46: {  	s14 =	sadd.s32 $0x80, s14;
	(pc) =	sbr.rel @p0 .LBB2_7-.Ltmp5, $2  }
0x47: {  	_ =	sdelay $0x2  }
0x48: {  	s15 =	sadd.s32 $0x400, s15;
	s16 =	sadd.s32 s16, s12  }
.Ltmp6:
0x49: {  	(pc) =	sbr.rel .LBB2_9-.Ltmp6, $2  }
0x4a: {  	_ =	sdelay $0x2  }
0x4b: {  	[hbm:s16] =	stream.linear.scatter [tilespmem:s13], [sflag:$0x3], $0x400, $0x38;
	[tilespmem:$0x4080] =	vst v63  }
.LBB2_2:
.Ltmp7:
0x4c: {  	(pc) =	sbr.rel .LBB2_10-.Ltmp7, $4  }
0x4d: {  	_ = 	snop  }
0x4e: {  	s12 =	sshrl.u32 s11, $0x3  }
0x4f: {  	s13 =	sand.u32 $0x7, s11;
	s12 =	sadd.s32 s3, s12  }
0x50: {  	[tilespmem:s9], [sflag:$0x2] =	stream.linear.gather [hbm4b:s12+s13], $0x40, $0x38;
	[tilespmem:$0x4080] =	vst v63  }
.LBB2_11:
0x51: {  	s2 =	simm.s32 $0x3  }
0x52: {  	_ =	swait.ge [sflag:s2], $0x2000  }
0x53: {  	[sflag:s2] =	ssyncset.done $0x0  }
0x54: {  	[sflag:s2] =	ssyncadd.s32 $0xFFFFE000  }
0x55: {  	_ =	sfence.sel $0x180000  }
0x56: {  	s3 =	simm.s32 $0x2;
	[bflag:$0x0] =	sbarrier.arrive $0xFFFF  }
0x57: {  	[sflag:s3] =	ssyncpa.u1 $0x1  }
0x58: {  	s31 =	simm.s32 $0x1;
	[sflag:s2] =	ssyncpa.u1 $0x1  }
0x59: {  	[sflag:s31] =	ssyncpa.u1 $0x1  }
0x5a: {  	p0 =	sne.s32 s1, $0x0;
	_ =	strace $0x9000004A  }
0x5b: {  	s0 =	sadd.s32 @!p0 $0x100000, s0;
	[bflag:$0x2] =	sbarrier.arrive $0xFFFF  }
0x5c: {  	[sflag:s0] =	ssyncadd.tile.s32 @!p0 $0x1;
	_ =	shalt  }
.Lfunc_end2:
_tile_overlayer_lowered:
.L_overlay_start_2:
0x5d: {  	(tag) =	ssettag $0x2  }
0x5e: {  	s0 =	rddreg [dreg:$0x0];
	s2 =	stileid.u32  }
0x5f: {  	s1 =	rddreg [dreg:$0x1];
	p0 =	sne.s32 s2, $0x0  }
0x60: {  	s3 =	rddreg [dreg:$0x2];
	[bflag:$0x3] =	sbarrier.arrive $0xFFFF;
	s2 =	simm.s32 @!p0 $0x1C01  }
0x61: {  	[timem:s3], [sflag:s2] =	dma.local @!p0 [hbm:s0], s1  }
0x62: {  	s0 =	simm.s32 @!p0 $0x1  }
0x63: {  	_ =	swait.ge @!p0 [sflag:s0], s1  }
0x64: {  	s1 =	ssub.s32 @!p0 $0x0, s1;
	[sflag:s0] =	ssyncset.done @!p0 $0x0  }
0x65: {  	[sflag:s0] =	ssyncadd.s32 @!p0 s1  }
0x66: {  	[bflag:$0x3] =	sbarrier.arrive $0xFFFF  }
0x67: {  	_ =	shalt  }

// kernel: gather_offload_async_start
scs
__scs_entry_jumppad:
0x0: {  	(pc) =	sbr.rel $0x88, $3  }
0x1: {  	(tag) =	ssettag $0x0;
	lr =	simm.s32 $0x1  }
0x2: {  	[smem:$0x3F34] =	sst lr;
	_ =	strace $0xD0000000  }
0x3: {  	_ = 	snop  }
0x4: {  	_ = 	snop  }
0x5: {  	_ = 	snop  }
0x6: {  	_ = 	snop  }
0x7: {  	_ = 	snop  }
__scs_overlays_trampoline_lowered:
0x8: {  	[smem:$0x3F43] =	sst s0  }
0x9: {  	[smem:$0x3F44] =	sst s1  }
0xa: {  	[smem:$0x3F45] =	sst s2  }
0xb: {  	[smem:$0x3F46] =	sst s3  }
0xc: {  	[smem:$0x3F47] =	sst s4  }
0xd: {  	[smem:$0x3F48] =	sst s5  }
0xe: {  	[smem:$0x3F49] =	sst s6  }
0xf: {  	[smem:$0x3F4A] =	sst s7  }
0x10: {  	[smem:$0x3F4B] =	sst s8  }
0x11: {  	[smem:$0x3F4C] =	sst s9;
	s0 =	simm.s32 @!p0 $0x0  }
0x12: {  	s1 =	sld [smem:$0x3F32];
	s0 =	simm.s32 @p0 $0x1  }
0x13: {  	[smem:$0x3F4D] =	sst s0;
	s0 =	simm.s32 @!p1 $0x0  }
0x14: {  	s2 =	sld [smem:$0x3F31];
	s0 =	simm.s32 @p1 $0x1  }
0x15: {  	[smem:$0x3F4E] =	sst s0;
	s0 =	simm.s32 @!p2 $0x0  }
0x16: {  	s3 =	sld [smem:$0x3FDB];
	s0 =	simm.s32 @p2 $0x1  }
0x17: {  	s4 =	simm.s32 $0x1BF5;
	[smem:$0x3F50] =	sst s0  }
0x18: {  	s0 =	sld [smem:$0x3F33];
	_ =	swait.ge [sflag:s4], $0x0  }
0x19: {  	s7 =	sld [smem:$0x3F34]  }
0x1a: {  	s8 =	sadd.s32 $0xFFFFE003, lr  }
0x1b: {  	s9 =	sadd.s32 $0xFFFFFEF7, lr;
	s5 =	simm.s32 $0xFFFFFFFF;
	p2 =	slt.u32 s8, $0xFFFFF086  }
0x1c: {  	p1 =	slt.u32 s9, $0xF7A;
	s5 =	simm.s32 @!p2 $0x0  }
0x1d: {  	s5 =	simm.s32 @p1 $0x1;
	p0 =	seq.s32 s7, s2  }
0x1e: {  	s7 =	smul.u32 @!p0 $0xF7A, s2;
	p2 =	seq.s32 @!p0 s5, $0x0  }
0x1f: {  	s9 =	smul.u32 $0xF7A, s1;
	s8 =	simm.s32 @!p0 $0x1BF5;
	p2 =	por !p2, p0  }
0x20: {  	[sflag:s8] =	ssyncset.s32 @!p0 $0xFFFFF086;
	s6 =	sadd.s32 @!p0 s3, s7;
	s7 =	simm.s32 @!p0 $0x108  }
0x21: {  	s3 =	sadd.s32 s3, s9;
	s6 =	sadd.s32 @!p0 $0x88, s6;
	s7 =	simm.s32 @p2 $0x1082  }
0x22: {  	[simem:s7], [sflag:s8] =	dma.local @!p0 [hbm:s6], $0xF7A  }
0x23: {  	s9 =	sor.u32 $0xD0000000, s2;
	s6 =	simm.s32 $0x108;
	_ =	swait.ge @!p0 [sflag:s8], $0x0  }
0x24: {  	s3 =	sadd.s32 $0x88, s3;
	s6 =	simm.s32 @!p1 $0x1082;
	[sflag:s4] =	ssyncset.s32 $0xFFFFF086  }
0x25: {  	[simem:s6], [sflag:s4] =	dma.local [hbm:s3], $0xF7A  }
0x26: {  	[smem:$0x3F34] =	sst s1;
	(tag) =	ssettag s2;
	_ =	strace s9  }
0x27: {  	s1 =	sld [smem:$0x3F44]  }
0x28: {  	s2 =	sld [smem:$0x3F45]  }
0x29: {  	s4 =	sld [smem:$0x3F47]  }
0x2a: {  	p0 =	seq.s32 s5, $0x0;
	s5 =	sld [smem:$0x3F48]  }
0x2b: {  	s6 =	sld [smem:$0x3F49]  }
0x2c: {  	s7 =	sld [smem:$0x3F4A]  }
0x2d: {  	s3 =	simm.s32 $0x108;
	s8 =	sld [smem:$0x3F4B]  }
0x2e: {  	s3 =	simm.s32 @!p0 $0x1082;
	s9 =	sld [smem:$0x3F4C]  }
0x2f: {  	lr =	sadd.s32 s0, s3;
	s0 =	sld [smem:$0x3F43]  }
0x30: {  	s3 =	sld [smem:$0x3F46]  }
0x31: {  	[smem:$0x3F4F] =	sst s10  }
0x32: {  	s10 =	sld [smem:$0x3F4D];
	_ =	sdelay $0x3  }
0x33: {  	p0 =	seq.s32 s10, $0x1;
	s10 =	sld [smem:$0x3F4F];
	_ =	sdelay $0x3  }
0x34: {  	[smem:$0x3F4F] =	sst s10  }
0x35: {  	s10 =	sld [smem:$0x3F4E];
	_ =	sdelay $0x3  }
0x36: {  	p1 =	seq.s32 s10, $0x1;
	s10 =	sld [smem:$0x3F4F];
	_ =	sdelay $0x3  }
0x37: {  	[smem:$0x3F4F] =	sst s10  }
0x38: {  	s10 =	sld [smem:$0x3F50]  }
0x39: {  	_ = 	snop;
	(pc) =	sbr.ind lr, $3  }
0x3a: {  	_ = 	snop  }
0x3b: {  	_ = 	snop  }
0x3c: {  	p2 =	seq.s32 s10, $0x1;
	s10 =	sld [smem:$0x3F4F]  }
0x3d: {  	_ =	shalt  }
0x3e: {  	_ =	shalt  }
0x3f: {  	_ =	shalt  }
0x40: {  	_ =	shalt  }
0x41: {  	_ =	shalt  }
0x42: {  	_ =	shalt  }
0x43: {  	_ =	shalt  }
0x44: {  	_ =	shalt  }
0x45: {  	_ =	shalt  }
0x46: {  	_ =	shalt  }
0x47: {  	_ =	shalt  }
0x48: {  	_ =	shalt  }
0x49: {  	_ =	shalt  }
0x4a: {  	_ =	shalt  }
0x4b: {  	_ =	shalt  }
0x4c: {  	_ =	shalt  }
0x4d: {  	_ =	shalt  }
0x4e: {  	_ =	shalt  }
0x4f: {  	_ =	shalt  }
0x50: {  	_ =	shalt  }
0x51: {  	_ =	shalt  }
0x52: {  	_ =	shalt  }
0x53: {  	_ =	shalt  }
0x54: {  	_ =	shalt  }
0x55: {  	_ =	shalt  }
0x56: {  	_ =	shalt  }
0x57: {  	_ =	shalt  }
0x58: {  	_ =	shalt  }
0x59: {  	_ =	shalt  }
0x5a: {  	_ =	shalt  }
0x5b: {  	_ =	shalt  }
0x5c: {  	_ =	shalt  }
0x5d: {  	_ =	shalt  }
0x5e: {  	_ =	shalt  }
0x5f: {  	_ =	shalt  }
0x60: {  	_ =	shalt  }
0x61: {  	_ =	shalt  }
0x62: {  	_ =	shalt  }
0x63: {  	_ =	shalt  }
0x64: {  	_ =	shalt  }
0x65: {  	_ =	shalt  }
0x66: {  	_ =	shalt  }
0x67: {  	_ =	shalt  }
0x68: {  	_ =	shalt  }
0x69: {  	_ =	shalt  }
0x6a: {  	_ =	shalt  }
0x6b: {  	_ =	shalt  }
0x6c: {  	_ =	shalt  }
0x6d: {  	_ =	shalt  }
0x6e: {  	_ =	shalt  }
0x6f: {  	_ =	shalt  }
0x70: {  	_ =	shalt  }
0x71: {  	_ =	shalt  }
0x72: {  	_ =	shalt  }
0x73: {  	_ =	shalt  }
0x74: {  	_ =	shalt  }
0x75: {  	_ =	shalt  }
0x76: {  	_ =	shalt  }
0x77: {  	_ =	shalt  }
0x78: {  	_ =	shalt  }
0x79: {  	_ =	shalt  }
0x7a: {  	_ =	shalt  }
0x7b: {  	_ =	shalt  }
0x7c: {  	_ =	shalt  }
0x7d: {  	_ =	shalt  }
0x7e: {  	_ =	shalt  }
0x7f: {  	_ =	shalt  }
0x80: {  	_ =	shalt  }
0x81: {  	_ =	shalt  }
0x82: {  	_ =	shalt  }
0x83: {  	_ =	shalt  }
0x84: {  	_ =	shalt  }
0x85: {  	_ =	shalt  }
0x86: {  	_ =	shalt  }
0x87: {  	_ =	shalt  }
.Lfunc_end0:
.L_simem_size_0:
called_computation_lowered:
.L_overlay_start_0:
0x88: {  	s2 =	sld [smem:$0x3FD9]  }
0x89: {  	s3 =	sld [smem:$0x3FFE];
	_ =	sdelay $0x1  }
0x8a: {  	s1 =	srdreg.scid  }
0x8b: {  	s0 =	sand.u32 $0x1, s1  }
0x8c: {  	s16 =	sshll.u32 s0, $0xA;
	s2 =	sadd.s32 s3, s2  }
0x8d: {  	s2 =	sadd.s32 s2, s16  }
0x8e: {  	[smem:$0x3F5B] =	sst s2  }
0x8f: {  	_ = 	snop  }
0x90: {  	(tm) =	ssettm $0x1  }
0x91: {  	s17 =	sld [smem:$0x3FFB];
	_ =	sdelay $0x3  }
0x92: {  	_ =	strace s17  }
0x93: {  	s2 =	sld [smem:$0x3FFC];
	_ =	sdelay $0x3  }
0x94: {  	_ =	strace s2  }
0x95: {  	s2 =	sld [smem:$0x3FFD];
	_ =	sdelay $0x3  }
0x96: {  	_ =	strace s2  }
0x97: {  	_ =	strace $0x8FFFFFFF  }
0x98: {  	s18 =	sld [smem:$0x3FDB];
	_ =	sdelay $0x1  }
0x99: {  	s19 =	simm.s32 $_scs_section_size  }
0x9a: {  	s4 =	simm.s32 $_size__tile_overlayer_lowered;
	s5 =	simm.s32 $_tile_overlayer_lowered  }
0x9b: {  	s22 =	simm.s32 $0x1BFF;
	s21 =	sshll.u32 s5, $0x1;
	s2 =	sadd.s32 s19, s18  }
0x9c: {  	s6 =	simm.s32 $0x0;
	s20 =	sshll.u32 s4, $0x1;
	s4 =	sadd.s32 s21, s2  }
0x9d: {  	[timem:s6], [sflag:s22] =	dma.local [hbm:s4], s20  }
0x9e: {  	_ =	swait.ge [sflag:s22], s20  }
0x9f: {  	s3 =	ssub.s32 $0x0, s20;
	[sflag:s22] =	ssyncset.done $0x0  }
0xa0: {  	[sflag:s22] =	ssyncadd.s32 s3;
	_ =	sdelay $0x1  }
0xa1: {  	s23 =	simm.s32 $0x1B8B  }
0xa2: {  	_ =	swait.ge [sflag:s23], $0x1  }
0xa3: {  	[sflag:s23] =	ssyncset.done $0x0  }
0xa4: {  	s25 =	simm.s32 $0x1B8E;
	s24 =	sld [smem:$0x3FFE];
	[sflag:s23] =	ssyncadd.s32 $0xFFFFFFFF  }
0xa5: {  	s26 =	simm.s32 $execute0_lowered;
	[smem:$0x3FD2] =	sst s25  }
0xa6: {  	s4 =	sshll.u32 s26, $0x1;
	_ =	strace $0x80000046;
	[dreg:$0x1] =	wrdreg $0xFFFFFFFF  }
0xa7: {  	s28 =	simm.s32 $_size_execute0_lowered;
	s2 =	sadd.s32 s2, s4;
	[dreg:$0x0] =	wrdreg $0x0  }
0xa8: {  	s4 =	sshll.u32 s28, $0x1;
	[dreg:$0x2] =	wrdreg s2  }
0xa9: {  	[dreg:$0x3] =	wrdreg s4  }
0xaa: {  	[dreg:$0x4] =	wrdreg $0xC0  }
0xab: {  	_ =	task [dreg:s6], $0x5FFFF  }
0xac: {  	[dreg:$0x1] =	wrdreg $0xFFFFFFFF  }
0xad: {  	[dreg:$0x0] =	wrdreg $0x60  }
0xae: {  	[dreg:$0x2] =	wrdreg s24  }
0xaf: {  	[dreg:$0x3] =	wrdreg $0x9  }
0xb0: {  	_ =	task.clear_ibuf [dreg:s6], $0x4FFFF;
	_ =	strace $0x90000046  }
0xb1: {  	s29 =	simm.s32 $0x9;
	_ =	strace $0x80000048  }
0xb2: {  	_ =	swait.ge [sflag:s29], $0x1  }
0xb3: {  	[sflag:s29] =	ssyncadd.s32 $0xFFFFFFFF  }
0xb4: {  	_ =	strace $0x90000048  }
0xb5: {  	_ =	sfence  }
0xb6: {  	s30 =	sld [smem:$0x0];
	_ =	sdelay $0x2  }
0xb7: {  	s31 =	sshll.u32 s1, $0xD;
	s1 =	sshrl.u32 s1, $0x2  }
0xb8: {  	s3 =	sand.u32 $0x4000, s31;
	s1 =	sadd.s32 s1, s30  }
0xb9: {  	s0 =	sor.u32 s3, s0;
	s1 =	sshll.u32 s1, $0x11  }
0xba: {  	s0 =	sor.u32 s1, s0  }
0xbb: {  	s0 =	sadd.s32 $0x8F2B, s0  }
0xbc: {  	[sflag:s0] =	ssyncadd.remote.s32 $0x1  }
0xbd: {  	_ =	sfence.sel $0xFFFF  }
0xbe: {  	[dreg:$0x0] =	wrdreg $0xFFFFFFFF;
	(pc) =	sbr.abs _section_cstart, $3  }
0xbf: {  	[dreg:$0x1] =	wrdreg $0xFFFFFFFF  }
0xc0: {  	_ =	task.clear_ibuf [dreg:s6], $0x2FFFF;
	_ =	strace $0x9FFFFFFF  }
0xc1: {  	(tm) =	ssettm $0x7FFFFFFF  }
tec
execute0_lowered:
.L_overlay_start_1:
0x0: {  	(tag) =	ssettag $0x1  }
0x1: {  	s7 =	rddreg [dreg:$0x0]  }
0x2: {  	s0 =	rddreg [dreg:$0x1];
	_ =	strace $0x80000047  }
0x3: {  	s1 =	srdreg.scid;
	s4 =	simm.s32 $0x1;
	s9 =	simm.s32 $0x3  }
0x4: {  	s12 =	simm.s32 $0x0;
	s10 =	simm.s32 $0x0;
	s5 =	sshll.u32 s1, $0x4  }
.Ltmp0:
0x5: {  	s1 =	stileid.u32;
	s5 =	sand.u32 $0x10, s5;
	(pc) =	sbr.rel .LBB2_1-.Ltmp0, $4  }
0x6: {  	s2 =	sadd.s32 $0x10800, s7;
	s3 =	sadd.s32 $0x90800, s7;
	s6 =	sor.u32 s1, s5  }
0x7: {  	[sflag:s4] =	ssyncpa.u1 $0x0;
	s5 =	simm.s32 $0x2;
	s6 =	sshll.u32 s6, $0x8  }
0x8: {  	s7 =	sadd.s32 $0xBFA00, s7;
	[sflag:s5] =	ssyncpa.u1 $0x0;
	s8 =	sadd.s32 $0x100, s6  }
0x9: {  	vm0 =	vmmov $0xff;
	vm1 =	vcmask $0x3F20;
	[sflag:s9] =	ssyncpa.u1 $0x0;
	s9 =	simm.s32 $0x100;
	s11 =	smov.u32 s6  }
.LBB2_9:
0xa: {  	p0 =	seq.s32 s10, $0x2  }
.Ltmp1:
0xb: {  	_ = 	snop;
	(pc) =	sbr.rel @p0 .LBB2_11-.Ltmp1, $1  }
0xc: {  	_ =	sdelay $0x3  }
.LBB2_10:
0xd: {  	s12 =	sadd.s32 $0x100, s11  }
0xe: {  	s13 =	smov.u32 s6;
	p0 =	slt.s32 s12, s8  }
0xf: {  	s13 =	smov.u32 @p0 s12  }
0x10: {  	s10 =	sadd.s32 $0x1, s10;
	s12 =	smov.u32 s11;
	s11 =	smov.u32 s13  }
.LBB2_1:
0x11: {  	p0 =	sne.s32 s10, $0x0  }
.Ltmp2:
0x12: {  	_ = 	snop;
	(pc) =	sbr.rel @!p0 .LBB2_2-.Ltmp2, $1  }
0x13: {  	_ =	sdelay $0x3  }
0x14: {  	s13 =	sand.u32 $0x1, s10  }
0x15: {  	p0 =	seq.s32 s13, $0x0  }
.Ltmp3:
0x16: {  	_ = 	snop;
	(pc) =	sbr.rel @p0 .LBB2_9-.Ltmp3, $1  }
0x17: {  	_ =	sdelay $0x3  }
0x18: {  	_ =	swait.ge [sflag:s5], $0x100  }
0x19: {  	[sflag:s5] =	ssyncset.done $0x0  }
0x1a: {  	s13 =	simm.s32 $0x0;
	[sflag:s5] =	ssyncadd.s32 $0xFFFFFF00  }
0x1b: {  	v0 =	vld.msk [tilespmem:s13+$0x100 ss:$0x1], $0xffff;
	_ =	sdelay $0x4  }
0x1c: {  	v1 =	vshll.u32 v0, $0x3  }
0x1d: {  	vm2 =	veq.s32 v0, $0x80000000;
	v0 =	vshll.u32 v0, $0x12;
	v1 =	vand.u32 $0x3FF80, v1  }
0x1e: {  	v0 =	vand.u32 $0x3C0000, v0;
	v1 =	vsel vm2, $0xFFFFFF80, v1  }
0x1f: {  	v0 =	vsel vm2, $0xFFFC0000, v0;
	v2 =	vand.u32 $0xFFFFFC00, v1  }
0x20: {  	v1 =	vand.u32 $0x380, v1;
	v0 =	vadd.s32 v0, v2  }
0x21: {  	v0 =	vor.u32 v1, v0  }
0x22: {  	v0 =	vshrl.u32 v0, $0x3;
	_ =	sdelay $0x3  }
0x23: {  	s13 =	simm.s32 $0x8200  }
0x24: {  	[tilespmem:s13], [sflag:$0x1] =	stream.indirect_vreg.gather [hbm:s2], $0x80, v0, vm0, $0x38;
	[tilespmem:$0x10200] =	vst v63  }
0x25: {  	s14 =	simm.s32 $0x8600;
	s31 =	simm.s32 $0x10  }
0x26: {  	[tilespmem:s14], [sflag:$0x1] =	stream.indirect_vreg.gather [hbm:s2], $0x80, v0, vm1, $0x38;
	[tilespmem:$0x10200] =	vst v63  }
0x27: {  	s14 =	simm.s32 $0x80;
	v0 =	vld.msk [tilespmem:s31+$0x100 ss:$0x1], $0xffff  }
.LBB2_5:
0x28: {  	p0 =	sne.s32 s14, $0x3C0;
	_ =	sdelay $0x4  }
0x29: {  	v1 =	vshll.u32 v0, $0x3  }
0x2a: {  	vm2 =	veq.s32 v0, $0x80000000;
	v0 =	vshll.u32 v0, $0x12;
	v1 =	vand.u32 $0x3FF80, v1  }
0x2b: {  	v0 =	vand.u32 $0x3C0000, v0;
	v1 =	vsel vm2, $0xFFFFFF80, v1  }
0x2c: {  	v0 =	vsel vm2, $0xFFFC0000, v0;
	v2 =	vand.u32 $0xFFFFFC00, v1  }
0x2d: {  	v1 =	vand.u32 $0x380, v1;
	v0 =	vadd.s32 v0, v2  }
0x2e: {  	v0 =	vor.u32 v1, v0  }
0x2f: {  	v0 =	vshrl.u32 v0, $0x3;
	_ =	sdelay $0x3  }
.Ltmp4:
0x30: {  	s13 =	sadd.s32 $0x800, s13;
	(pc) =	sbr.rel @p0 .LBB2_5-.Ltmp4, $4  }
0x31: {  	[tilespmem:s13], [sflag:$0x1] =	stream.indirect_vreg.gather [hbm:s2], $0x80, v0, vm0, $0x38;
	[tilespmem:$0x10200] =	vst v63  }
0x32: {  	s15 =	sshra.s32 s14, $0x2;
	s16 =	sadd.s32 $0x400, s13  }
0x33: {  	[tilespmem:s16], [sflag:$0x1] =	stream.indirect_vreg.gather [hbm:s2], $0x80, v0, vm1, $0x38;
	[tilespmem:$0x10200] =	vst v63  }
0x34: {  	s14 =	sadd.s32 $0x40, s14;
	v0 =	vld.msk [tilespmem:s15+$0x100 ss:$0x1], $0xffff  }
0x35: {  	_ =	sdelay $0x3  }
0x36: {  	v1 =	vshll.u32 v0, $0x3  }
0x37: {  	vm2 =	veq.s32 v0, $0x80000000;
	v63 =	vshll.u32 v0, $0x12;
	v1 =	vand.u32 $0x3FF80, v1  }
0x38: {  	v0 =	vand.u32 $0x3C0000, v63;
	v1 =	vsel vm2, $0xFFFFFF80, v1  }
0x39: {  	v0 =	vsel vm2, $0xFFFC0000, v0;
	v2 =	vand.u32 $0xFFFFFC00, v1  }
0x3a: {  	v1 =	vand.u32 $0x380, v1;
	v0 =	vadd.s32 v0, v2  }
0x3b: {  	v0 =	vor.u32 v1, v0  }
0x3c: {  	v0 =	vshrl.u32 v0, $0x3;
	_ =	sdelay $0x3  }
0x3d: {  	s13 =	sadd.s32 $0x800, s13  }
0x3e: {  	[tilespmem:s13], [sflag:$0x1] =	stream.indirect_vreg.gather [hbm:s2], $0x80, v0, vm0, $0x38;
	[tilespmem:$0x10200] =	vst v63  }
0x3f: {  	s13 =	sadd.s32 $0x400, s13  }
0x40: {  	[tilespmem:s13], [sflag:$0x1] =	stream.indirect_vreg.gather [hbm:s2], $0x80, v0, vm1, $0x38;
	[tilespmem:$0x10200] =	vst v63  }
0x41: {  	s12 =	sshll.u32 s12, $0x4;
	s14 =	simm.s32 $0x80;
	_ =	swait.ge [sflag:s4], $0x8000  }
0x42: {  	s15 =	simm.s32 $0x8600;
	s12 =	sadd.s32 s12, s7;
	[sflag:s4] =	ssyncset.done $0x0  }
0x43: {  	s16 =	sadd.s32 $0x0, s12;
	s13 =	simm.s32 $0x8200;
	[sflag:s4] =	ssyncadd.s32 $0xFFFF8000  }
.LBB2_7:
0x44: {  	[hbm:s16] =	stream.linear.scatter [tilespmem:s13], [sflag:$0x3], $0x400, $0x38;
	[tilespmem:$0x10200] =	vst v63  }
0x45: {  	s16 =	smov.u32 s14;
	s13 =	smov.u32 s15;
	p0 =	sne.s32 s14, $0xF80  }
.Ltmp5:
0x46: {  	s14 =	sadd.s32 $0x80, s14;
	(pc) =	sbr.rel @p0 .LBB2_7-.Ltmp5, $2  }
0x47: {  	_ =	sdelay $0x2  }
0x48: {  	s15 =	sadd.s32 $0x400, s15;
	s16 =	sadd.s32 s16, s12  }
.Ltmp6:
0x49: {  	(pc) =	sbr.rel .LBB2_9-.Ltmp6, $2  }
0x4a: {  	_ =	sdelay $0x2  }
0x4b: {  	[hbm:s16] =	stream.linear.scatter [tilespmem:s13], [sflag:$0x3], $0x400, $0x38;
	[tilespmem:$0x10200] =	vst v63  }
.LBB2_2:
.Ltmp7:
0x4c: {  	(pc) =	sbr.rel .LBB2_10-.Ltmp7, $4  }
0x4d: {  	_ = 	snop  }
0x4e: {  	s12 =	sshrl.u32 s11, $0x3  }
0x4f: {  	s13 =	sand.u32 $0x7, s11;
	s12 =	sadd.s32 s3, s12  }
0x50: {  	[tilespmem:s9], [sflag:$0x2] =	stream.linear.gather [hbm4b:s12+s13], $0x100, $0x38;
	[tilespmem:$0x10200] =	vst v63  }
.LBB2_11:
0x51: {  	s2 =	simm.s32 $0x3  }
0x52: {  	_ =	swait.ge [sflag:s2], $0x8000  }
0x53: {  	[sflag:s2] =	ssyncset.done $0x0  }
0x54: {  	[sflag:s2] =	ssyncadd.s32 $0xFFFF8000  }
0x55: {  	_ =	sfence.sel $0x180000  }
0x56: {  	s3 =	simm.s32 $0x2;
	[bflag:$0x0] =	sbarrier.arrive $0xFFFF  }
0x57: {  	[sflag:s3] =	ssyncpa.u1 $0x1  }
0x58: {  	s31 =	simm.s32 $0x1;
	[sflag:s2] =	ssyncpa.u1 $0x1  }
0x59: {  	[sflag:s31] =	ssyncpa.u1 $0x1  }
0x5a: {  	p0 =	sne.s32 s1, $0x0;
	_ =	strace $0x90000047  }
0x5b: {  	s0 =	sadd.s32 @!p0 $0x100000, s0;
	[bflag:$0x2] =	sbarrier.arrive $0xFFFF  }
0x5c: {  	[sflag:s0] =	ssyncadd.tile.s32 @!p0 $0x1;
	_ =	shalt  }
.Lfunc_end2:
_tile_overlayer_lowered:
.L_overlay_start_2:
0x5d: {  	(tag) =	ssettag $0x2  }
0x5e: {  	s0 =	rddreg [dreg:$0x0];
	s2 =	stileid.u32  }
0x5f: {  	s1 =	rddreg [dreg:$0x1];
	p0 =	sne.s32 s2, $0x0  }
0x60: {  	s3 =	rddreg [dreg:$0x2];
	[bflag:$0x3] =	sbarrier.arrive $0xFFFF;
	s2 =	simm.s32 @!p0 $0x1C01  }
0x61: {  	[timem:s3], [sflag:s2] =	dma.local @!p0 [hbm:s0], s1  }
0x62: {  	s0 =	simm.s32 @!p0 $0x1  }
0x63: {  	_ =	swait.ge @!p0 [sflag:s0], s1  }
0x64: {  	s1 =	ssub.s32 @!p0 $0x0, s1;
	[sflag:s0] =	ssyncset.done @!p0 $0x0  }
0x65: {  	[sflag:s0] =	ssyncadd.s32 @!p0 s1  }
0x66: {  	[bflag:$0x3] =	sbarrier.arrive $0xFFFF  }
0x67: {  	_ =	shalt  }

</sc_bundles>
